<compile_context>
chip_gen: v7x
topology: tpu7x:2x2x1
jax: 0.10.2.dev20260603
libtpu: 0.0.44.dev20260713+nightly
codegen_flags: <defaults>
</compile_context>

<pallas_src>
import functools

import jax
import jax.numpy as jnp
from jax import lax
from jax.experimental import pallas as pl
from jax.experimental.pallas import tpu as pltpu
from jax.experimental.pallas import tpu_sc as plsc

D = 64
NW = 32
VB = 16384
LG = 4
BB = 1024
GGRP = 2


def _pack_body(t_ref, o_ref):
    u = lax.bitcast_convert_type(t_ref[...], jnp.uint32)
    r = (u + jnp.uint32(0x7FFF) + ((u >> 16) & jnp.uint32(1))) >> 16
    w = r[:32, :] | (r[32:, :] << 16)
    vb4 = VB // 4
    parts = [jnp.transpose(w[:, j * vb4:(j + 1) * vb4]) for j in range(4)]
    o_ref[...] = lax.bitcast_convert_type(
        jnp.concatenate(parts, axis=1), jnp.float32)


def _sc_gather_body(n_l, table_ref, idx_ref, out_ref, idx_v, rows_a, rows_b, sem):
    wid = lax.axis_index("s") * 2 + lax.axis_index("c")
    b0 = wid * 128
    pltpu.sync_copy(idx_ref.at[:, pl.ds(b0, 128)], idx_v)
    n_grp = n_l // GGRP
    gcols = GGRP * 128

    def fire(grp, buf):
        for j in range(GGRP):
            pltpu.async_copy(
                table_ref.at[idx_v.at[grp * GGRP + j]],
                buf.at[:, pl.ds(j * 128, 128)],
                sem,
            )

    def drain_and_write(grp, buf):
        pltpu.make_async_copy(
            out_ref.at[pl.ds(0, 128), pl.ds(0, gcols)], buf, sem
        ).wait()
        pltpu.sync_copy(
            buf, out_ref.at[pl.ds(b0, 128), pl.ds(grp * gcols, gcols)]
        )

    fire(0, rows_a)

    def body(h, carry):
        g = h * 2
        fire(g + 1, rows_b)
        drain_and_write(g, rows_a)

        @pl.when(g + 2 < n_grp)
        def _():
            fire(g + 2, rows_a)

        drain_and_write(g + 1, rows_b)
        return carry

    lax.fori_loop(0, n_grp // 2, body, 0)


def _fuse_body(g_ref, n_ref, m_ref, wf_ref, wn_ref, bn_ref, bf_ref, o_ref):
    wf = wf_ref[...]
    w1 = wf[:, :D]
    w2 = wf[:, D:]
    cd = (((1,), (0,)), ((), ()))
    v = lax.dot_general(w2, wn_ref[...], cd,
                        preferred_element_type=jnp.float32)
    c = lax.dot_general(w2, bn_ref[...], cd,
                        preferred_element_type=jnp.float32) + bf_ref[...]
    zero = jnp.zeros((D, D), jnp.float32)
    w4 = jnp.concatenate(
        [jnp.concatenate([w1 if q == p else zero for q in range(LG)], axis=1)
         for p in range(LG)], axis=0)

    gu = lax.bitcast_convert_type(g_ref[...], jnp.uint32)
    mq = m_ref[...].reshape(LG, BB)
    halves = []
    for p in range(LG):
        gp = gu[:, p * 128:(p + 1) * 128]
        m = mq[p][:, None]
        sl = jnp.where(
            m < 2,
            jnp.where(m == 0, gp[:, 0:32], gp[:, 32:64]),
            jnp.where(m == 2, gp[:, 64:96], gp[:, 96:128]),
        )
        halves.append(lax.bitcast_convert_type(sl << 16, jnp.float32))
        halves.append(lax.bitcast_convert_type(
            sl & jnp.uint32(0xFFFF0000), jnp.float32))
    gf = jnp.concatenate(halves, axis=1)
    out = lax.dot_general(w4, gf, (((1,), (1,)), ((), ())),
                          preferred_element_type=jnp.float32)

    n4 = n_ref[...].reshape(LG, BB)
    nx = jnp.broadcast_to(n4[:, None, :], (LG, D, BB)).reshape(LG * D, BB)
    v4 = jnp.concatenate([v] * LG, axis=0)
    c4 = jnp.concatenate([c] * LG, axis=0)
    o_ref[...] = (out + v4 * nx + c4).reshape(LG, D, BB)


def kernel(categorical_features, numeric_features, emb_table, W_num, b_num, W_fuse, b_fuse):
    b, n_l = categorical_features.shape
    vocab = emb_table.shape[0]

    t_phys = emb_table.T
    idx_t = categorical_features.T
    num_t = numeric_features.T

    n_blk = pl.cdiv(vocab, VB)
    packed = pl.pallas_call(
        _pack_body,
        grid=(n_blk,),
        in_specs=[pl.BlockSpec((D, VB), lambda i: (0, i))],
        out_specs=pl.BlockSpec((VB // 4, 128), lambda i: (i, 0)),
        out_shape=jax.ShapeDtypeStruct((n_blk * (VB // 4), 128), jnp.float32),
    )(t_phys)

    vb4 = VB // 4
    idx4 = ((idx_t // VB) * vb4) | (idx_t & (vb4 - 1))
    idxm = ((idx_t // vb4) & 3).reshape(n_l // LG, LG, b)

    mesh = plsc.VectorSubcoreMesh(core_axis_name="c", subcore_axis_name="s")
    gathered = pl.kernel(
        functools.partial(_sc_gather_body, n_l),
        out_type=jax.ShapeDtypeStruct((b, n_l * 128), jnp.float32),
        mesh=mesh,
        scratch_types=[
            pltpu.VMEM((n_l, 128), jnp.int32),
            pltpu.VMEM((128, GGRP * 128), jnp.float32),
            pltpu.VMEM((128, GGRP * 128), jnp.float32),
            pltpu.SemaphoreType.DMA,
        ],
        compiler_params=pltpu.CompilerParams(use_tc_tiling_on_sc=True),
    )(packed, idx4)

    num_r = num_t.reshape(n_l // LG, LG, b)
    out_t = pl.pallas_call(
        _fuse_body,
        grid=(b // BB, n_l // LG),
        in_specs=[
            pl.BlockSpec((BB, LG * 128), lambda ib, il: (ib, il)),
            pl.BlockSpec((1, LG, BB), lambda ib, il: (il, 0, ib)),
            pl.BlockSpec((1, LG, BB), lambda ib, il: (il, 0, ib)),
            pl.BlockSpec((D, 2 * D), lambda ib, il: (0, 0)),
            pl.BlockSpec((D, 1), lambda ib, il: (0, 0)),
            pl.BlockSpec((D, 1), lambda ib, il: (0, 0)),
            pl.BlockSpec((D, 1), lambda ib, il: (0, 0)),
        ],
        out_specs=pl.BlockSpec((LG, D, BB), lambda ib, il: (il, 0, ib)),
        out_shape=jax.ShapeDtypeStruct((n_l, D, b), jnp.float32),
    )(gathered, num_r, idxm, W_fuse, W_num, b_num.reshape(D, 1),
      b_fuse.reshape(D, 1))

    return jnp.transpose(out_t, (2, 0, 1))

# --- scband reference (transcript-rebuilt; emitter-appended) ---
"""Pipeline reference for scband-sequential-feature-processor-4587025072281 (READ-ONLY COPY).

The authoritative reference and input builder live on the scoring server;
editing this copy changes nothing except your own understanding.
"""

import jax, jax.numpy as jnp
import numpy as np

B = 4096
L = 200
VOCAB = 1000000
D = 64

def setup_inputs(seed: int = 0) -> dict:
    key = jax.random.key(seed)
    k1, k2, k3, k4, k5, k6, k7 = jax.random.split(key, 7)
    categorical_features = jax.random.randint(k1, (B, L), 0, VOCAB, dtype=jnp.int64 if jax.config.jax_enable_x64 else jnp.int32).astype(jnp.int32)
    numeric_features = jax.random.normal(k2, (B, L), dtype=jnp.float32)
    emb_table = jax.random.normal(k3, (VOCAB, D), dtype=jnp.float32)
    W_num = jax.random.normal(k4, (D, 1), dtype=jnp.float32) * (1.0 / np.sqrt(1.0))
    b_num = jax.random.normal(k5, (D,), dtype=jnp.float32) * 0.01
    W_fuse = jax.random.normal(k6, (D, 2 * D), dtype=jnp.float32) * (1.0 / np.sqrt(2 * D))
    b_fuse = jax.random.normal(k7, (D,), dtype=jnp.float32) * 0.01
    return {
        "categorical_features": categorical_features,
        "numeric_features": numeric_features,
        "emb_table": emb_table,
        "W_num": W_num,
        "b_num": b_num,
        "W_fuse": W_fuse,
        "b_fuse": b_fuse,
    }

def reference(categorical_features, numeric_features, emb_table, W_num, b_num, W_fuse, b_fuse):
    # categorical embedding lookup -> [B, L, D]
    cat_embeds = jnp.take(emb_table, categorical_features, axis=0)
    # numeric features: view(B, -1, 1) then Linear(1, D)
    num_expanded = numeric_features.reshape(numeric_features.shape[0], -1, 1)
    num_embeds = num_expanded @ W_num.T + b_num  # [B, L, D]
    # shapes match (both [B, L, D]); no padding branch taken
    combined = jnp.concatenate([cat_embeds, num_embeds], axis=-1)  # [B, L, 2D]
    fused = combined @ W_fuse.T + b_fuse  # [B, L, D]
    return fused

if __name__ == "__main__":
    import jax
    _d = setup_inputs()
    print(jax.jit(kernel)(*tuple(_d.values())))

</pallas_src>

<mosaic_0001>
#map = affine_map<(d0, d1) -> (0, 0)>
module attributes {stable_mosaic.version = 14 : i64} {
  func.func @_sc_gather_body(%arg0: i32, %arg1: i32, %arg2: memref<253952x128xf32, #tpu.memory_space<hbm>>, %arg3: memref<200x4096xi32, #tpu.memory_space<hbm>>, %arg4: memref<4096x25600xf32, #tpu.memory_space<hbm>>, %arg5: memref<200x128xi32, #tpu.memory_space<vmem>>, %arg6: memref<128x256xf32, #tpu.memory_space<vmem>>, %arg7: memref<128x256xf32, #tpu.memory_space<vmem>>, %arg8: memref<!tpu.dma_semaphore, #tpu.memory_space<semaphore_mem>>) attributes {dimension_semantics = [#tpu.dimension_semantics<core_parallel>, #tpu.dimension_semantics<subcore_parallel>], iteration_bounds = array<i64: 2, 16>, scalar_prefetch = 0 : i64, scratch_operands = 4 : i64, tpu.core_type = #tpu.core_type<sc_vector_subcore>, window_params = [{transform_indices = #map}, {transform_indices = #map}, {transform_indices = #map}]} {
    %mul3A = arith.constant 2 : i32
    %mul3A_0 = arith.muli %arg1, %mul3A : i32
    %add3A = arith.addi %mul3A_0, %arg0 : i32
    %mul3A_1 = arith.constant 128 : i32
    %mul3A_2 = arith.muli %add3A, %mul3A_1 : i32
    "tpu.region"() ({
      %run_scoped3A = tpu.sem_alloc : memref<!tpu.dma_semaphore, #tpu.memory_space<semaphore_mem>>
      %dma_start3A_27 = arith.constant 0 : i32
      %dma_start3A_28 = tpu.memref_slice %arg3[%dma_start3A_27, %mul3A_2] : memref<200x4096xi32, #tpu.memory_space<hbm>> -> memref<200x128xi32, #tpu.memory_space<hbm>>
      %dma_start3A_29 = arith.constant 0 : i32
      %dma_start3A_30 = tpu.memref_slice %arg3[%dma_start3A_29, %mul3A_2] : memref<200x4096xi32, #tpu.memory_space<hbm>> -> memref<200x128xi32, #tpu.memory_space<hbm>>
      tpu.enqueue_dma source(%dma_start3A_30 : memref<200x128xi32, #tpu.memory_space<hbm>>) target(%arg5 : memref<200x128xi32, #tpu.memory_space<vmem>>) target_semaphore(%run_scoped3A : memref<!tpu.dma_semaphore, #tpu.memory_space<semaphore_mem>>)
      %dma_wait3A = arith.constant 0 : i32
      %dma_wait3A_31 = tpu.memref_slice %arg3[%dma_wait3A, %mul3A_2] : memref<200x4096xi32, #tpu.memory_space<hbm>> -> memref<200x128xi32, #tpu.memory_space<hbm>>
      %dma_wait3A_32 = arith.constant 0 : i32
      %dma_wait3A_33 = tpu.memref_slice %arg3[%dma_wait3A_32, %mul3A_2] : memref<200x4096xi32, #tpu.memory_space<hbm>> -> memref<200x128xi32, #tpu.memory_space<hbm>>
      tpu.wait_dma2 semaphore(%run_scoped3A : memref<!tpu.dma_semaphore, #tpu.memory_space<semaphore_mem>>) src(%dma_wait3A_33 : memref<200x128xi32, #tpu.memory_space<hbm>>) dst(%arg5 : memref<200x128xi32, #tpu.memory_space<vmem>>)
      tpu.yield
    }) : () -> ()
    %dma_start3A = arith.constant 0 : i32
    %dma_start3A_3 = arith.constant 0 : i32
    %dma_start3A_4 = arith.constant 0 : i32
    %dma_start3A_5 = tpu.memref_slice %arg6[%dma_start3A_3, %dma_start3A_4] : memref<128x256xf32, #tpu.memory_space<vmem>> -> memref<128x128xf32, #tpu.memory_space<vmem>>
    %dma_start3A_6 = arith.constant 0 : i32
    %dma_start3A_7 = tpu.memref_slice %arg5[%dma_start3A, %dma_start3A_6] : memref<200x128xi32, #tpu.memory_space<vmem>> -> memref<1x128xi32, #tpu.memory_space<vmem>>
    %dma_start3A_8 = tpu.memref_squeeze %dma_start3A_7 : memref<1x128xi32, #tpu.memory_space<vmem>> -> memref<128xi32, #tpu.memory_space<vmem>>
    %dma_start3A_9 = arith.constant 0 : i32
    %dma_start3A_10 = arith.constant 0 : i32
    %dma_start3A_11 = tpu.memref_slice %arg2[%dma_start3A_9, %dma_start3A_10] : memref<253952x128xf32, #tpu.memory_space<hbm>> -> memref<253952x128xf32, #tpu.memory_space<hbm>>
    tpu.enqueue_indirect_dma source(%dma_start3A_11 : memref<253952x128xf32, #tpu.memory_space<hbm>>) target(%dma_start3A_5 : memref<128x128xf32, #tpu.memory_space<vmem>>) offsets(%dma_start3A_8 : memref<128xi32, #tpu.memory_space<vmem>>) semaphore(%arg8 : memref<!tpu.dma_semaphore, #tpu.memory_space<semaphore_mem>>)
    %dma_start3A_12 = arith.constant 1 : i32
    %dma_start3A_13 = arith.constant 0 : i32
    %dma_start3A_14 = arith.constant 128 : i32
    %dma_start3A_15 = tpu.memref_slice %arg6[%dma_start3A_13, %dma_start3A_14] : memref<128x256xf32, #tpu.memory_space<vmem>> -> memref<128x128xf32, #tpu.memory_space<vmem>>
    %dma_start3A_16 = arith.constant 0 : i32
    %dma_start3A_17 = tpu.memref_slice %arg5[%dma_start3A_12, %dma_start3A_16] : memref<200x128xi32, #tpu.memory_space<vmem>> -> memref<1x128xi32, #tpu.memory_space<vmem>>
    %dma_start3A_18 = tpu.memref_squeeze %dma_start3A_17 : memref<1x128xi32, #tpu.memory_space<vmem>> -> memref<128xi32, #tpu.memory_space<vmem>>
    %dma_start3A_19 = arith.constant 0 : i32
    %dma_start3A_20 = arith.constant 0 : i32
    %dma_start3A_21 = tpu.memref_slice %arg2[%dma_start3A_19, %dma_start3A_20] : memref<253952x128xf32, #tpu.memory_space<hbm>> -> memref<253952x128xf32, #tpu.memory_space<hbm>>
    tpu.enqueue_indirect_dma source(%dma_start3A_21 : memref<253952x128xf32, #tpu.memory_space<hbm>>) target(%dma_start3A_15 : memref<128x128xf32, #tpu.memory_space<vmem>>) offsets(%dma_start3A_18 : memref<128xi32, #tpu.memory_space<vmem>>) semaphore(%arg8 : memref<!tpu.dma_semaphore, #tpu.memory_space<semaphore_mem>>)
    %scan3A = arith.constant 0 : i32
    %scan3A_22 = arith.constant 0 : i32
    %scan3A_23 = arith.constant 50 : i32
    %scan3A_24 = arith.addi %scan3A_22, %scan3A_23 : i32
    %scan3A_25 = arith.constant 1 : i32
    scf.for %scan3A_27 = %scan3A_22 to %scan3A_24 step %scan3A_25  : i32 {
      %mul3A_28 = arith.constant 2 : i32
      %mul3A_29 = arith.muli %scan3A_27, %mul3A_28 : i32
      %add3A_30 = arith.constant 1 : i32
      %add3A_31 = arith.addi %mul3A_29, %add3A_30 : i32
      %mul3A_32 = arith.constant 2 : i32
      %mul3A_33 = arith.muli %add3A_31, %mul3A_32 : i32
      %add3A_34 = arith.constant 0 : i32
      %add3A_35 = arith.addi %mul3A_33, %add3A_34 : i32
      %dma_start3A_36 = arith.constant 0 : i32
      %dma_start3A_37 = arith.constant 0 : i32
      %dma_start3A_38 = tpu.memref_slice %arg7[%dma_start3A_36, %dma_start3A_37] : memref<128x256xf32, #tpu.memory_space<vmem>> -> memref<128x128xf32, #tpu.memory_space<vmem>>
      %dma_start3A_39 = arith.constant 0 : i32
      %dma_start3A_40 = tpu.memref_slice %arg5[%add3A_35, %dma_start3A_39] : memref<200x128xi32, #tpu.memory_space<vmem>> -> memref<1x128xi32, #tpu.memory_space<vmem>>
      %dma_start3A_41 = tpu.memref_squeeze %dma_start3A_40 : memref<1x128xi32, #tpu.memory_space<vmem>> -> memref<128xi32, #tpu.memory_space<vmem>>
      %dma_start3A_42 = arith.constant 0 : i32
      %dma_start3A_43 = arith.constant 0 : i32
      %dma_start3A_44 = tpu.memref_slice %arg2[%dma_start3A_42, %dma_start3A_43] : memref<253952x128xf32, #tpu.memory_space<hbm>> -> memref<253952x128xf32, #tpu.memory_space<hbm>>
      tpu.enqueue_indirect_dma source(%dma_start3A_44 : memref<253952x128xf32, #tpu.memory_space<hbm>>) target(%dma_start3A_38 : memref<128x128xf32, #tpu.memory_space<vmem>>) offsets(%dma_start3A_41 : memref<128xi32, #tpu.memory_space<vmem>>) semaphore(%arg8 : memref<!tpu.dma_semaphore, #tpu.memory_space<semaphore_mem>>)
      %mul3A_45 = arith.constant 2 : i32
      %mul3A_46 = arith.muli %add3A_31, %mul3A_45 : i32
      %add3A_47 = arith.constant 1 : i32
      %add3A_48 = arith.addi %mul3A_46, %add3A_47 : i32
      %dma_start3A_49 = arith.constant 0 : i32
      %dma_start3A_50 = arith.constant 128 : i32
      %dma_start3A_51 = tpu.memref_slice %arg7[%dma_start3A_49, %dma_start3A_50] : memref<128x256xf32, #tpu.memory_space<vmem>> -> memref<128x128xf32, #tpu.memory_space<vmem>>
      %dma_start3A_52 = arith.constant 0 : i32
      %dma_start3A_53 = tpu.memref_slice %arg5[%add3A_48, %dma_start3A_52] : memref<200x128xi32, #tpu.memory_space<vmem>> -> memref<1x128xi32, #tpu.memory_space<vmem>>
      %dma_start3A_54 = tpu.memref_squeeze %dma_start3A_53 : memref<1x128xi32, #tpu.memory_space<vmem>> -> memref<128xi32, #tpu.memory_space<vmem>>
      %dma_start3A_55 = arith.constant 0 : i32
      %dma_start3A_56 = arith.constant 0 : i32
      %dma_start3A_57 = tpu.memref_slice %arg2[%dma_start3A_55, %dma_start3A_56] : memref<253952x128xf32, #tpu.memory_space<hbm>> -> memref<253952x128xf32, #tpu.memory_space<hbm>>
      tpu.enqueue_indirect_dma source(%dma_start3A_57 : memref<253952x128xf32, #tpu.memory_space<hbm>>) target(%dma_start3A_51 : memref<128x128xf32, #tpu.memory_space<vmem>>) offsets(%dma_start3A_54 : memref<128xi32, #tpu.memory_space<vmem>>) semaphore(%arg8 : memref<!tpu.dma_semaphore, #tpu.memory_space<semaphore_mem>>)
      %dma_wait3A = arith.constant 0 : i32
      %dma_wait3A_58 = arith.constant 0 : i32
      %dma_wait3A_59 = tpu.memref_slice %arg4[%dma_wait3A, %dma_wait3A_58] : memref<4096x25600xf32, #tpu.memory_space<hbm>> -> memref<128x256xf32, #tpu.memory_space<hbm>>
      %dma_wait3A_60 = arith.constant 0 : i32
      %dma_wait3A_61 = arith.constant 0 : i32
      %dma_wait3A_62 = tpu.memref_slice %arg4[%dma_wait3A_60, %dma_wait3A_61] : memref<4096x25600xf32, #tpu.memory_space<hbm>> -> memref<128x256xf32, #tpu.memory_space<hbm>>
      tpu.wait_dma2 semaphore(%arg8 : memref<!tpu.dma_semaphore, #tpu.memory_space<semaphore_mem>>) src(%dma_wait3A_62 : memref<128x256xf32, #tpu.memory_space<hbm>>) dst(%arg6 : memref<128x256xf32, #tpu.memory_space<vmem>>)
      %mul3A_63 = arith.constant 256 : i32
      %mul3A_64 = arith.muli %mul3A_29, %mul3A_63 : i32
      "tpu.region"() ({
        %run_scoped3A = tpu.sem_alloc : memref<!tpu.dma_semaphore, #tpu.memory_space<semaphore_mem>>
        %dma_start3A_79 = tpu.memref_slice %arg4[%mul3A_2, %mul3A_64] : memref<4096x25600xf32, #tpu.memory_space<hbm>> -> memref<128x256xf32, #tpu.memory_space<hbm>>
        %dma_start3A_80 = tpu.memref_slice %arg4[%mul3A_2, %mul3A_64] : memref<4096x25600xf32, #tpu.memory_space<hbm>> -> memref<128x256xf32, #tpu.memory_space<hbm>>
        tpu.enqueue_dma source(%arg6 : memref<128x256xf32, #tpu.memory_space<vmem>>) target(%dma_start3A_80 : memref<128x256xf32, #tpu.memory_space<hbm>>) target_semaphore(%run_scoped3A : memref<!tpu.dma_semaphore, #tpu.memory_space<semaphore_mem>>)
        %dma_wait3A_81 = tpu.memref_slice %arg4[%mul3A_2, %mul3A_64] : memref<4096x25600xf32, #tpu.memory_space<hbm>> -> memref<128x256xf32, #tpu.memory_space<hbm>>
        %dma_wait3A_82 = tpu.memref_slice %arg4[%mul3A_2, %mul3A_64] : memref<4096x25600xf32, #tpu.memory_space<hbm>> -> memref<128x256xf32, #tpu.memory_space<hbm>>
        tpu.wait_dma2 semaphore(%run_scoped3A : memref<!tpu.dma_semaphore, #tpu.memory_space<semaphore_mem>>) src(%arg6 : memref<128x256xf32, #tpu.memory_space<vmem>>) dst(%dma_wait3A_82 : memref<128x256xf32, #tpu.memory_space<hbm>>)
        tpu.yield
      }) : () -> ()
      %add3A_65 = arith.constant 2 : i32
      %add3A_66 = arith.addi %mul3A_29, %add3A_65 : i32
      %lt3A = arith.constant 100 : i32
      %lt3A_67 = arith.cmpi slt, %add3A_66, %lt3A : i32
      %convert_element_type3A = arith.extui %lt3A_67 : i1 to i32
      %cond3A = arith.constant 0 : i32
      %cond3A_68 = arith.cmpi ne, %convert_element_type3A, %cond3A : i32
      scf.if %cond3A_68 {
        %add3A_79 = arith.constant 2 : i32
        %add3A_80 = arith.addi %mul3A_29, %add3A_79 : i32
        %mul3A_81 = arith.constant 2 : i32
        %mul3A_82 = arith.muli %add3A_80, %mul3A_81 : i32
        %add3A_83 = arith.constant 0 : i32
        %add3A_84 = arith.addi %mul3A_82, %add3A_83 : i32
        %dma_start3A_85 = arith.constant 0 : i32
        %dma_start3A_86 = arith.constant 0 : i32
        %dma_start3A_87 = tpu.memref_slice %arg6[%dma_start3A_85, %dma_start3A_86] : memref<128x256xf32, #tpu.memory_space<vmem>> -> memref<128x128xf32, #tpu.memory_space<vmem>>
        %dma_start3A_88 = arith.constant 0 : i32
        %dma_start3A_89 = tpu.memref_slice %arg5[%add3A_84, %dma_start3A_88] : memref<200x128xi32, #tpu.memory_space<vmem>> -> memref<1x128xi32, #tpu.memory_space<vmem>>
        %dma_start3A_90 = tpu.memref_squeeze %dma_start3A_89 : memref<1x128xi32, #tpu.memory_space<vmem>> -> memref<128xi32, #tpu.memory_space<vmem>>
        %dma_start3A_91 = arith.constant 0 : i32
        %dma_start3A_92 = arith.constant 0 : i32
        %dma_start3A_93 = tpu.memref_slice %arg2[%dma_start3A_91, %dma_start3A_92] : memref<253952x128xf32, #tpu.memory_space<hbm>> -> memref<253952x128xf32, #tpu.memory_space<hbm>>
        tpu.enqueue_indirect_dma source(%dma_start3A_93 : memref<253952x128xf32, #tpu.memory_space<hbm>>) target(%dma_start3A_87 : memref<128x128xf32, #tpu.memory_space<vmem>>) offsets(%dma_start3A_90 : memref<128xi32, #tpu.memory_space<vmem>>) semaphore(%arg8 : memref<!tpu.dma_semaphore, #tpu.memory_space<semaphore_mem>>)
        %mul3A_94 = arith.constant 2 : i32
        %mul3A_95 = arith.muli %add3A_80, %mul3A_94 : i32
        %add3A_96 = arith.constant 1 : i32
        %add3A_97 = arith.addi %mul3A_95, %add3A_96 : i32
        %dma_start3A_98 = arith.constant 0 : i32
        %dma_start3A_99 = arith.constant 128 : i32
        %dma_start3A_100 = tpu.memref_slice %arg6[%dma_start3A_98, %dma_start3A_99] : memref<128x256xf32, #tpu.memory_space<vmem>> -> memref<128x128xf32, #tpu.memory_space<vmem>>
        %dma_start3A_101 = arith.constant 0 : i32
        %dma_start3A_102 = tpu.memref_slice %arg5[%add3A_97, %dma_start3A_101] : memref<200x128xi32, #tpu.memory_space<vmem>> -> memref<1x128xi32, #tpu.memory_space<vmem>>
        %dma_start3A_103 = tpu.memref_squeeze %dma_start3A_102 : memref<1x128xi32, #tpu.memory_space<vmem>> -> memref<128xi32, #tpu.memory_space<vmem>>
        %dma_start3A_104 = arith.constant 0 : i32
        %dma_start3A_105 = arith.constant 0 : i32
        %dma_start3A_106 = tpu.memref_slice %arg2[%dma_start3A_104, %dma_start3A_105] : memref<253952x128xf32, #tpu.memory_space<hbm>> -> memref<253952x128xf32, #tpu.memory_space<hbm>>
        tpu.enqueue_indirect_dma source(%dma_start3A_106 : memref<253952x128xf32, #tpu.memory_space<hbm>>) target(%dma_start3A_100 : memref<128x128xf32, #tpu.memory_space<vmem>>) offsets(%dma_start3A_103 : memref<128xi32, #tpu.memory_space<vmem>>) semaphore(%arg8 : memref<!tpu.dma_semaphore, #tpu.memory_space<semaphore_mem>>)
      } else {
      }
      %add3A_69 = arith.constant 1 : i32
      %add3A_70 = arith.addi %mul3A_29, %add3A_69 : i32
      %dma_wait3A_71 = arith.constant 0 : i32
      %dma_wait3A_72 = arith.constant 0 : i32
      %dma_wait3A_73 = tpu.memref_slice %arg4[%dma_wait3A_71, %dma_wait3A_72] : memref<4096x25600xf32, #tpu.memory_space<hbm>> -> memref<128x256xf32, #tpu.memory_space<hbm>>
      %dma_wait3A_74 = arith.constant 0 : i32
      %dma_wait3A_75 = arith.constant 0 : i32
      %dma_wait3A_76 = tpu.memref_slice %arg4[%dma_wait3A_74, %dma_wait3A_75] : memref<4096x25600xf32, #tpu.memory_space<hbm>> -> memref<128x256xf32, #tpu.memory_space<hbm>>
      tpu.wait_dma2 semaphore(%arg8 : memref<!tpu.dma_semaphore, #tpu.memory_space<semaphore_mem>>) src(%dma_wait3A_76 : memref<128x256xf32, #tpu.memory_space<hbm>>) dst(%arg7 : memref<128x256xf32, #tpu.memory_space<vmem>>)
      %mul3A_77 = arith.constant 256 : i32
      %mul3A_78 = arith.muli %add3A_70, %mul3A_77 : i32
      "tpu.region"() ({
        %run_scoped3A = tpu.sem_alloc : memref<!tpu.dma_semaphore, #tpu.memory_space<semaphore_mem>>
        %dma_start3A_79 = tpu.memref_slice %arg4[%mul3A_2, %mul3A_78] : memref<4096x25600xf32, #tpu.memory_space<hbm>> -> memref<128x256xf32, #tpu.memory_space<hbm>>
        %dma_start3A_80 = tpu.memref_slice %arg4[%mul3A_2, %mul3A_78] : memref<4096x25600xf32, #tpu.memory_space<hbm>> -> memref<128x256xf32, #tpu.memory_space<hbm>>
        tpu.enqueue_dma source(%arg7 : memref<128x256xf32, #tpu.memory_space<vmem>>) target(%dma_start3A_80 : memref<128x256xf32, #tpu.memory_space<hbm>>) target_semaphore(%run_scoped3A : memref<!tpu.dma_semaphore, #tpu.memory_space<semaphore_mem>>)
        %dma_wait3A_81 = tpu.memref_slice %arg4[%mul3A_2, %mul3A_78] : memref<4096x25600xf32, #tpu.memory_space<hbm>> -> memref<128x256xf32, #tpu.memory_space<hbm>>
        %dma_wait3A_82 = tpu.memref_slice %arg4[%mul3A_2, %mul3A_78] : memref<4096x25600xf32, #tpu.memory_space<hbm>> -> memref<128x256xf32, #tpu.memory_space<hbm>>
        tpu.wait_dma2 semaphore(%run_scoped3A : memref<!tpu.dma_semaphore, #tpu.memory_space<semaphore_mem>>) src(%arg7 : memref<128x256xf32, #tpu.memory_space<vmem>>) dst(%dma_wait3A_82 : memref<128x256xf32, #tpu.memory_space<hbm>>)
        tpu.yield
      }) : () -> ()
    }
    %scan3A_26 = arith.constant 50 : i32
    return
  }
}

module attributes {stable_mosaic.version = 14 : i64} {
  func.func @_pack_body(%arg0: i32, %arg1: memref<64x16384xf32, #tpu.memory_space<vmem>>, %arg2: memref<4096x128xf32, #tpu.memory_space<vmem>>) attributes {dimension_semantics = [#tpu.dimension_semantics<arbitrary>], iteration_bounds = array<i64: 62>, scalar_prefetch = 0 : i64, scratch_operands = 0 : i64, tpu.core_type = #tpu.core_type<tc>, window_params = [{transform_indices = @transform_0, window_bounds = array<i64: 64, 16384>}, {transform_indices = @transform_1, window_bounds = array<i64: 4096, 128>}]} {
    %get3A = arith.constant 0 : index
    %get3A_0 = arith.constant 0 : index
    %get3A_1 = vector.load %arg1[%get3A, %get3A_0] : memref<64x16384xf32, #tpu.memory_space<vmem>>, vector<64x16384xf32>
    %bitcast_convert_type3A = tpu.bitcast %get3A_1 : vector<64x16384xf32> -> vector<64x16384xi32>
    %add3A = arith.constant 32767 : i32
    %add3A_2 = vector.broadcast %add3A : i32 to vector<64x16384xi32>
    %add3A_3 = arith.addi %bitcast_convert_type3A, %add3A_2 : vector<64x16384xi32>
    %shift_right_logical3A = arith.constant 16 : i32
    %shift_right_logical3A_4 = vector.broadcast %shift_right_logical3A : i32 to vector<64x16384xi32>
    %shift_right_logical3A_5 = arith.shrui %bitcast_convert_type3A, %shift_right_logical3A_4 : vector<64x16384xi32>
    %and3A = arith.constant 1 : i32
    %and3A_6 = vector.broadcast %and3A : i32 to vector<64x16384xi32>
    %and3A_7 = arith.andi %shift_right_logical3A_5, %and3A_6 : vector<64x16384xi32>
    %add3A_8 = arith.addi %add3A_3, %and3A_7 : vector<64x16384xi32>
    %shift_right_logical3A_9 = arith.constant 16 : i32
    %shift_right_logical3A_10 = vector.broadcast %shift_right_logical3A_9 : i32 to vector<64x16384xi32>
    %shift_right_logical3A_11 = arith.shrui %add3A_8, %shift_right_logical3A_10 : vector<64x16384xi32>
    %slice3A = vector.extract_strided_slice %shift_right_logical3A_11 {offsets = [0, 0], sizes = [32, 16384], strides = [1, 1]} : vector<64x16384xi32> to vector<32x16384xi32>
    %slice3A_12 = vector.extract_strided_slice %shift_right_logical3A_11 {offsets = [32, 0], sizes = [32, 16384], strides = [1, 1]} : vector<64x16384xi32> to vector<32x16384xi32>
    %shift_left3A = arith.constant 16 : i32
    %shift_left3A_13 = vector.broadcast %shift_left3A : i32 to vector<32x16384xi32>
    %shift_left3A_14 = arith.shli %slice3A_12, %shift_left3A_13 : vector<32x16384xi32>
    %or3A = arith.ori %slice3A, %shift_left3A_14 : vector<32x16384xi32>
    %slice3A_15 = vector.extract_strided_slice %or3A {offsets = [0, 0], sizes = [32, 4096], strides = [1, 1]} : vector<32x16384xi32> to vector<32x4096xi32>
    %transpose3A = tpu.transpose %slice3A_15, [1, 0] : vector<32x4096xi32> -> vector<4096x32xi32>
    %slice3A_16 = vector.extract_strided_slice %or3A {offsets = [0, 4096], sizes = [32, 4096], strides = [1, 1]} : vector<32x16384xi32> to vector<32x4096xi32>
    %transpose3A_17 = tpu.transpose %slice3A_16, [1, 0] : vector<32x4096xi32> -> vector<4096x32xi32>
    %slice3A_18 = vector.extract_strided_slice %or3A {offsets = [0, 8192], sizes = [32, 4096], strides = [1, 1]} : vector<32x16384xi32> to vector<32x4096xi32>
    %transpose3A_19 = tpu.transpose %slice3A_18, [1, 0] : vector<32x4096xi32> -> vector<4096x32xi32>
    %slice3A_20 = vector.extract_strided_slice %or3A {offsets = [0, 12288], sizes = [32, 4096], strides = [1, 1]} : vector<32x16384xi32> to vector<32x4096xi32>
    %transpose3A_21 = tpu.transpose %slice3A_20, [1, 0] : vector<32x4096xi32> -> vector<4096x32xi32>
    %concatenate3A = tpu.concatenate %transpose3A, %transpose3A_17, %transpose3A_19, %transpose3A_21 in 1 : vector<4096x32xi32>, vector<4096x32xi32>, vector<4096x32xi32>, vector<4096x32xi32> -> vector<4096x128xi32>
    %bitcast_convert_type3A_22 = tpu.bitcast %concatenate3A : vector<4096x128xi32> -> vector<4096x128xf32>
    %swap3A = arith.constant 0 : index
    %swap3A_23 = arith.constant 0 : index
    %swap3A_24 = vector.load %arg2[%swap3A, %swap3A_23] : memref<4096x128xf32, #tpu.memory_space<vmem>>, vector<4096x128xf32>
    tpu.vector_store %arg2[%swap3A, %swap3A_23], %bitcast_convert_type3A_22 {strides = array<i32>} : memref<4096x128xf32, #tpu.memory_space<vmem>>, vector<4096x128xf32>,
    return
  }
  func.func @transform_0(%arg0: i32) -> (i32, i32) {
    %c0_i32 = arith.constant 0 : i32
    %c0_i32_0 = arith.constant 0 : i32
    return %c0_i32, %arg0 : i32, i32
  }
  func.func @transform_1(%arg0: i32) -> (i32, i32) {
    %c0_i32 = arith.constant 0 : i32
    %c0_i32_0 = arith.constant 0 : i32
    return %arg0, %c0_i32 : i32, i32
  }
}

module attributes {stable_mosaic.version = 14 : i64} {
  func.func @_fuse_body(%arg0: i32, %arg1: i32, %arg2: memref<1024x512xf32, #tpu.memory_space<vmem>>, %arg3: memref<1x4x1024xf32, #tpu.memory_space<vmem>>, %arg4: memref<1x4x1024xi32, #tpu.memory_space<vmem>>, %arg5: memref<64x128xf32, #tpu.memory_space<vmem>>, %arg6: memref<64x1xf32, #tpu.memory_space<vmem>>, %arg7: memref<64x1xf32, #tpu.memory_space<vmem>>, %arg8: memref<64x1xf32, #tpu.memory_space<vmem>>, %arg9: memref<4x64x1024xf32, #tpu.memory_space<vmem>>) attributes {dimension_semantics = [#tpu.dimension_semantics<arbitrary>, #tpu.dimension_semantics<arbitrary>], iteration_bounds = array<i64: 4, 50>, scalar_prefetch = 0 : i64, scratch_operands = 0 : i64, tpu.core_type = #tpu.core_type<tc>, window_params = [{transform_indices = @transform_0, window_bounds = array<i64: 1024, 512>}, {transform_indices = @transform_1, window_bounds = array<i64: 1, 4, 1024>}, {transform_indices = @transform_2, window_bounds = array<i64: 1, 4, 1024>}, {pipeline_mode = #tpu.pipeline_mode<synchronous>, transform_indices = @transform_3, window_bounds = array<i64: 64, 128>}, {pipeline_mode = #tpu.pipeline_mode<synchronous>, transform_indices = @transform_4, window_bounds = array<i64: 64, 1>}, {pipeline_mode = #tpu.pipeline_mode<synchronous>, transform_indices = @transform_5, window_bounds = array<i64: 64, 1>}, {pipeline_mode = #tpu.pipeline_mode<synchronous>, transform_indices = @transform_6, window_bounds = array<i64: 64, 1>}, {transform_indices = @transform_7, window_bounds = array<i64: 4, 64, 1024>}]} {
    %get3A = arith.constant 0 : index
    %get3A_0 = arith.constant 0 : index
    %get3A_1 = vector.load %arg5[%get3A, %get3A_0] : memref<64x128xf32, #tpu.memory_space<vmem>>, vector<64x128xf32>
    %slice3A = vector.extract_strided_slice %get3A_1 {offsets = [0, 0], sizes = [64, 64], strides = [1, 1]} : vector<64x128xf32> to vector<64x64xf32>
    %slice3A_2 = vector.extract_strided_slice %get3A_1 {offsets = [0, 64], sizes = [64, 64], strides = [1, 1]} : vector<64x128xf32> to vector<64x64xf32>
    %get3A_3 = arith.constant 0 : index
    %get3A_4 = arith.constant 0 : index
    %get3A_5 = vector.load %arg6[%get3A_3, %get3A_4] : memref<64x1xf32, #tpu.memory_space<vmem>>, vector<64x1xf32>
    %dot_general3A = arith.constant dense<0.000000e+00> : vector<64x1xf32>
    %dot_general3A_6 = tpu.matmul %slice3A_2, %get3A_5, %dot_general3A {dimension_numbers = #tpu.dot_dimension_numbers<[1], [0], [0], [1], [0, 0, 1, 1], [], []>, transpose_lhs_hint = false} : vector<64x64xf32>, vector<64x1xf32>, vector<64x1xf32> -> vector<64x1xf32>
    %get3A_7 = arith.constant 0 : index
    %get3A_8 = arith.constant 0 : index
    %get3A_9 = vector.load %arg7[%get3A_7, %get3A_8] : memref<64x1xf32, #tpu.memory_space<vmem>>, vector<64x1xf32>
    %dot_general3A_10 = arith.constant dense<0.000000e+00> : vector<64x1xf32>
    %dot_general3A_11 = tpu.matmul %slice3A_2, %get3A_9, %dot_general3A_10 {dimension_numbers = #tpu.dot_dimension_numbers<[1], [0], [0], [1], [0, 0, 1, 1], [], []>, transpose_lhs_hint = false} : vector<64x64xf32>, vector<64x1xf32>, vector<64x1xf32> -> vector<64x1xf32>
    %get3A_12 = arith.constant 0 : index
    %get3A_13 = arith.constant 0 : index
    %get3A_14 = vector.load %arg8[%get3A_12, %get3A_13] : memref<64x1xf32, #tpu.memory_space<vmem>>, vector<64x1xf32>
    %add3A = arith.addf %dot_general3A_11, %get3A_14 : vector<64x1xf32>
    %broadcast_in_dim3A = arith.constant 0.000000e+00 : f32
    %broadcast_in_dim3A_15 = vector.broadcast %broadcast_in_dim3A : f32 to vector<64x64xf32>
    %concatenate3A = tpu.concatenate %slice3A, %broadcast_in_dim3A_15, %broadcast_in_dim3A_15, %broadcast_in_dim3A_15 in 1 : vector<64x64xf32>, vector<64x64xf32>, vector<64x64xf32>, vector<64x64xf32> -> vector<64x256xf32>
    %concatenate3A_16 = tpu.concatenate %broadcast_in_dim3A_15, %slice3A, %broadcast_in_dim3A_15, %broadcast_in_dim3A_15 in 1 : vector<64x64xf32>, vector<64x64xf32>, vector<64x64xf32>, vector<64x64xf32> -> vector<64x256xf32>
    %concatenate3A_17 = tpu.concatenate %broadcast_in_dim3A_15, %broadcast_in_dim3A_15, %slice3A, %broadcast_in_dim3A_15 in 1 : vector<64x64xf32>, vector<64x64xf32>, vector<64x64xf32>, vector<64x64xf32> -> vector<64x256xf32>
    %concatenate3A_18 = tpu.concatenate %broadcast_in_dim3A_15, %broadcast_in_dim3A_15, %broadcast_in_dim3A_15, %slice3A in 1 : vector<64x64xf32>, vector<64x64xf32>, vector<64x64xf32>, vector<64x64xf32> -> vector<64x256xf32>
    %concatenate3A_19 = tpu.concatenate %concatenate3A, %concatenate3A_16, %concatenate3A_17, %concatenate3A_18 in 0 : vector<64x256xf32>, vector<64x256xf32>, vector<64x256xf32>, vector<64x256xf32> -> vector<256x256xf32>
    %get3A_20 = arith.constant 0 : index
    %get3A_21 = arith.constant 0 : index
    %get3A_22 = vector.load %arg2[%get3A_20, %get3A_21] : memref<1024x512xf32, #tpu.memory_space<vmem>>, vector<1024x512xf32>
    %bitcast_convert_type3A = tpu.bitcast %get3A_22 : vector<1024x512xf32> -> vector<1024x512xi32>
    %get3A_23 = arith.constant 0 : index
    %get3A_24 = arith.constant 0 : index
    %get3A_25 = arith.constant 0 : index
    %get3A_26 = vector.load %arg4[%get3A_23, %get3A_24, %get3A_25] : memref<1x4x1024xi32, #tpu.memory_space<vmem>>, vector<1x4x1024xi32>
    %reshape3A = vector.shape_cast %get3A_26 : vector<1x4x1024xi32> to vector<4x1024xi32>
    %slice3A_27 = vector.extract_strided_slice %bitcast_convert_type3A {offsets = [0, 0], sizes = [1024, 128], strides = [1, 1]} : vector<1024x512xi32> to vector<1024x128xi32>
    %slice3A_28 = vector.extract_strided_slice %reshape3A {offsets = [0, 0], sizes = [1, 1024], strides = [1, 1]} : vector<4x1024xi32> to vector<1x1024xi32>
    %squeeze3A = vector.shape_cast %slice3A_28 : vector<1x1024xi32> to vector<1024xi32>
    %broadcast_in_dim3A_29 = vector.shape_cast %squeeze3A : vector<1024xi32> to vector<1024x1xi32>
    %lt3A = arith.constant 2 : i32
    %lt3A_30 = vector.broadcast %lt3A : i32 to vector<1024x1xi32>
    %lt3A_31 = arith.cmpi slt, %broadcast_in_dim3A_29, %lt3A_30 : vector<1024x1xi32>
    %eq3A = arith.constant 0 : i32
    %eq3A_32 = vector.broadcast %eq3A : i32 to vector<1024x1xi32>
    %eq3A_33 = arith.cmpi eq, %broadcast_in_dim3A_29, %eq3A_32 : vector<1024x1xi32>
    %slice3A_34 = vector.extract_strided_slice %slice3A_27 {offsets = [0, 0], sizes = [1024, 32], strides = [1, 1]} : vector<1024x128xi32> to vector<1024x32xi32>
    %slice3A_35 = vector.extract_strided_slice %slice3A_27 {offsets = [0, 32], sizes = [1024, 32], strides = [1, 1]} : vector<1024x128xi32> to vector<1024x32xi32>
    %broadcast_in_dim3A_36 = vector.shape_cast %eq3A_33 : vector<1024x1xi1> to vector<1024x1xi1>
    %broadcast_in_dim3A_37 = vector.broadcast %broadcast_in_dim3A_36 : vector<1024x1xi1> to vector<1024x32xi1>
    %select_n3A = arith.select %broadcast_in_dim3A_37, %slice3A_34, %slice3A_35 : vector<1024x32xi1>, vector<1024x32xi32>
    %eq3A_38 = arith.constant 2 : i32
    %eq3A_39 = vector.broadcast %eq3A_38 : i32 to vector<1024x1xi32>
    %eq3A_40 = arith.cmpi eq, %broadcast_in_dim3A_29, %eq3A_39 : vector<1024x1xi32>
    %slice3A_41 = vector.extract_strided_slice %slice3A_27 {offsets = [0, 64], sizes = [1024, 32], strides = [1, 1]} : vector<1024x128xi32> to vector<1024x32xi32>
    %slice3A_42 = vector.extract_strided_slice %slice3A_27 {offsets = [0, 96], sizes = [1024, 32], strides = [1, 1]} : vector<1024x128xi32> to vector<1024x32xi32>
    %broadcast_in_dim3A_43 = vector.shape_cast %eq3A_40 : vector<1024x1xi1> to vector<1024x1xi1>
    %broadcast_in_dim3A_44 = vector.broadcast %broadcast_in_dim3A_43 : vector<1024x1xi1> to vector<1024x32xi1>
    %select_n3A_45 = arith.select %broadcast_in_dim3A_44, %slice3A_41, %slice3A_42 : vector<1024x32xi1>, vector<1024x32xi32>
    %broadcast_in_dim3A_46 = vector.shape_cast %lt3A_31 : vector<1024x1xi1> to vector<1024x1xi1>
    %broadcast_in_dim3A_47 = vector.broadcast %broadcast_in_dim3A_46 : vector<1024x1xi1> to vector<1024x32xi1>
    %select_n3A_48 = arith.select %broadcast_in_dim3A_47, %select_n3A, %select_n3A_45 : vector<1024x32xi1>, vector<1024x32xi32>
    %shift_left3A = arith.constant 16 : i32
    %shift_left3A_49 = vector.broadcast %shift_left3A : i32 to vector<1024x32xi32>
    %shift_left3A_50 = arith.shli %select_n3A_48, %shift_left3A_49 : vector<1024x32xi32>
    %bitcast_convert_type3A_51 = tpu.bitcast %shift_left3A_50 : vector<1024x32xi32> -> vector<1024x32xf32>
    %and3A = arith.constant -65536 : i32
    %and3A_52 = vector.broadcast %and3A : i32 to vector<1024x32xi32>
    %and3A_53 = arith.andi %select_n3A_48, %and3A_52 : vector<1024x32xi32>
    %bitcast_convert_type3A_54 = tpu.bitcast %and3A_53 : vector<1024x32xi32> -> vector<1024x32xf32>
    %slice3A_55 = vector.extract_strided_slice %bitcast_convert_type3A {offsets = [0, 128], sizes = [1024, 128], strides = [1, 1]} : vector<1024x512xi32> to vector<1024x128xi32>
    %slice3A_56 = vector.extract_strided_slice %reshape3A {offsets = [1, 0], sizes = [1, 1024], strides = [1, 1]} : vector<4x1024xi32> to vector<1x1024xi32>
    %squeeze3A_57 = vector.shape_cast %slice3A_56 : vector<1x1024xi32> to vector<1024xi32>
    %broadcast_in_dim3A_58 = vector.shape_cast %squeeze3A_57 : vector<1024xi32> to vector<1024x1xi32>
    %lt3A_59 = arith.constant 2 : i32
    %lt3A_60 = vector.broadcast %lt3A_59 : i32 to vector<1024x1xi32>
    %lt3A_61 = arith.cmpi slt, %broadcast_in_dim3A_58, %lt3A_60 : vector<1024x1xi32>
    %eq3A_62 = arith.constant 0 : i32
    %eq3A_63 = vector.broadcast %eq3A_62 : i32 to vector<1024x1xi32>
    %eq3A_64 = arith.cmpi eq, %broadcast_in_dim3A_58, %eq3A_63 : vector<1024x1xi32>
    %slice3A_65 = vector.extract_strided_slice %slice3A_55 {offsets = [0, 0], sizes = [1024, 32], strides = [1, 1]} : vector<1024x128xi32> to vector<1024x32xi32>
    %slice3A_66 = vector.extract_strided_slice %slice3A_55 {offsets = [0, 32], sizes = [1024, 32], strides = [1, 1]} : vector<1024x128xi32> to vector<1024x32xi32>
    %broadcast_in_dim3A_67 = vector.shape_cast %eq3A_64 : vector<1024x1xi1> to vector<1024x1xi1>
    %broadcast_in_dim3A_68 = vector.broadcast %broadcast_in_dim3A_67 : vector<1024x1xi1> to vector<1024x32xi1>
    %select_n3A_69 = arith.select %broadcast_in_dim3A_68, %slice3A_65, %slice3A_66 : vector<1024x32xi1>, vector<1024x32xi32>
    %eq3A_70 = arith.constant 2 : i32
    %eq3A_71 = vector.broadcast %eq3A_70 : i32 to vector<1024x1xi32>
    %eq3A_72 = arith.cmpi eq, %broadcast_in_dim3A_58, %eq3A_71 : vector<1024x1xi32>
    %slice3A_73 = vector.extract_strided_slice %slice3A_55 {offsets = [0, 64], sizes = [1024, 32], strides = [1, 1]} : vector<1024x128xi32> to vector<1024x32xi32>
    %slice3A_74 = vector.extract_strided_slice %slice3A_55 {offsets = [0, 96], sizes = [1024, 32], strides = [1, 1]} : vector<1024x128xi32> to vector<1024x32xi32>
    %broadcast_in_dim3A_75 = vector.shape_cast %eq3A_72 : vector<1024x1xi1> to vector<1024x1xi1>
    %broadcast_in_dim3A_76 = vector.broadcast %broadcast_in_dim3A_75 : vector<1024x1xi1> to vector<1024x32xi1>
    %select_n3A_77 = arith.select %broadcast_in_dim3A_76, %slice3A_73, %slice3A_74 : vector<1024x32xi1>, vector<1024x32xi32>
    %broadcast_in_dim3A_78 = vector.shape_cast %lt3A_61 : vector<1024x1xi1> to vector<1024x1xi1>
    %broadcast_in_dim3A_79 = vector.broadcast %broadcast_in_dim3A_78 : vector<1024x1xi1> to vector<1024x32xi1>
    %select_n3A_80 = arith.select %broadcast_in_dim3A_79, %select_n3A_69, %select_n3A_77 : vector<1024x32xi1>, vector<1024x32xi32>
    %shift_left3A_81 = arith.constant 16 : i32
    %shift_left3A_82 = vector.broadcast %shift_left3A_81 : i32 to vector<1024x32xi32>
    %shift_left3A_83 = arith.shli %select_n3A_80, %shift_left3A_82 : vector<1024x32xi32>
    %bitcast_convert_type3A_84 = tpu.bitcast %shift_left3A_83 : vector<1024x32xi32> -> vector<1024x32xf32>
    %and3A_85 = arith.constant -65536 : i32
    %and3A_86 = vector.broadcast %and3A_85 : i32 to vector<1024x32xi32>
    %and3A_87 = arith.andi %select_n3A_80, %and3A_86 : vector<1024x32xi32>
    %bitcast_convert_type3A_88 = tpu.bitcast %and3A_87 : vector<1024x32xi32> -> vector<1024x32xf32>
    %slice3A_89 = vector.extract_strided_slice %bitcast_convert_type3A {offsets = [0, 256], sizes = [1024, 128], strides = [1, 1]} : vector<1024x512xi32> to vector<1024x128xi32>
    %slice3A_90 = vector.extract_strided_slice %reshape3A {offsets = [2, 0], sizes = [1, 1024], strides = [1, 1]} : vector<4x1024xi32> to vector<1x1024xi32>
    %squeeze3A_91 = vector.shape_cast %slice3A_90 : vector<1x1024xi32> to vector<1024xi32>
    %broadcast_in_dim3A_92 = vector.shape_cast %squeeze3A_91 : vector<1024xi32> to vector<1024x1xi32>
    %lt3A_93 = arith.constant 2 : i32
    %lt3A_94 = vector.broadcast %lt3A_93 : i32 to vector<1024x1xi32>
    %lt3A_95 = arith.cmpi slt, %broadcast_in_dim3A_92, %lt3A_94 : vector<1024x1xi32>
    %eq3A_96 = arith.constant 0 : i32
    %eq3A_97 = vector.broadcast %eq3A_96 : i32 to vector<1024x1xi32>
    %eq3A_98 = arith.cmpi eq, %broadcast_in_dim3A_92, %eq3A_97 : vector<1024x1xi32>
    %slice3A_99 = vector.extract_strided_slice %slice3A_89 {offsets = [0, 0], sizes = [1024, 32], strides = [1, 1]} : vector<1024x128xi32> to vector<1024x32xi32>
    %slice3A_100 = vector.extract_strided_slice %slice3A_89 {offsets = [0, 32], sizes = [1024, 32], strides = [1, 1]} : vector<1024x128xi32> to vector<1024x32xi32>
    %broadcast_in_dim3A_101 = vector.shape_cast %eq3A_98 : vector<1024x1xi1> to vector<1024x1xi1>
    %broadcast_in_dim3A_102 = vector.broadcast %broadcast_in_dim3A_101 : vector<1024x1xi1> to vector<1024x32xi1>
    %select_n3A_103 = arith.select %broadcast_in_dim3A_102, %slice3A_99, %slice3A_100 : vector<1024x32xi1>, vector<1024x32xi32>
    %eq3A_104 = arith.constant 2 : i32
    %eq3A_105 = vector.broadcast %eq3A_104 : i32 to vector<1024x1xi32>
    %eq3A_106 = arith.cmpi eq, %broadcast_in_dim3A_92, %eq3A_105 : vector<1024x1xi32>
    %slice3A_107 = vector.extract_strided_slice %slice3A_89 {offsets = [0, 64], sizes = [1024, 32], strides = [1, 1]} : vector<1024x128xi32> to vector<1024x32xi32>
    %slice3A_108 = vector.extract_strided_slice %slice3A_89 {offsets = [0, 96], sizes = [1024, 32], strides = [1, 1]} : vector<1024x128xi32> to vector<1024x32xi32>
    %broadcast_in_dim3A_109 = vector.shape_cast %eq3A_106 : vector<1024x1xi1> to vector<1024x1xi1>
    %broadcast_in_dim3A_110 = vector.broadcast %broadcast_in_dim3A_109 : vector<1024x1xi1> to vector<1024x32xi1>
    %select_n3A_111 = arith.select %broadcast_in_dim3A_110, %slice3A_107, %slice3A_108 : vector<1024x32xi1>, vector<1024x32xi32>
    %broadcast_in_dim3A_112 = vector.shape_cast %lt3A_95 : vector<1024x1xi1> to vector<1024x1xi1>
    %broadcast_in_dim3A_113 = vector.broadcast %broadcast_in_dim3A_112 : vector<1024x1xi1> to vector<1024x32xi1>
    %select_n3A_114 = arith.select %broadcast_in_dim3A_113, %select_n3A_103, %select_n3A_111 : vector<1024x32xi1>, vector<1024x32xi32>
    %shift_left3A_115 = arith.constant 16 : i32
    %shift_left3A_116 = vector.broadcast %shift_left3A_115 : i32 to vector<1024x32xi32>
    %shift_left3A_117 = arith.shli %select_n3A_114, %shift_left3A_116 : vector<1024x32xi32>
    %bitcast_convert_type3A_118 = tpu.bitcast %shift_left3A_117 : vector<1024x32xi32> -> vector<1024x32xf32>
    %and3A_119 = arith.constant -65536 : i32
    %and3A_120 = vector.broadcast %and3A_119 : i32 to vector<1024x32xi32>
    %and3A_121 = arith.andi %select_n3A_114, %and3A_120 : vector<1024x32xi32>
    %bitcast_convert_type3A_122 = tpu.bitcast %and3A_121 : vector<1024x32xi32> -> vector<1024x32xf32>
    %slice3A_123 = vector.extract_strided_slice %bitcast_convert_type3A {offsets = [0, 384], sizes = [1024, 128], strides = [1, 1]} : vector<1024x512xi32> to vector<1024x128xi32>
    %slice3A_124 = vector.extract_strided_slice %reshape3A {offsets = [3, 0], sizes = [1, 1024], strides = [1, 1]} : vector<4x1024xi32> to vector<1x1024xi32>
    %squeeze3A_125 = vector.shape_cast %slice3A_124 : vector<1x1024xi32> to vector<1024xi32>
    %broadcast_in_dim3A_126 = vector.shape_cast %squeeze3A_125 : vector<1024xi32> to vector<1024x1xi32>
    %lt3A_127 = arith.constant 2 : i32
    %lt3A_128 = vector.broadcast %lt3A_127 : i32 to vector<1024x1xi32>
    %lt3A_129 = arith.cmpi slt, %broadcast_in_dim3A_126, %lt3A_128 : vector<1024x1xi32>
    %eq3A_130 = arith.constant 0 : i32
    %eq3A_131 = vector.broadcast %eq3A_130 : i32 to vector<1024x1xi32>
    %eq3A_132 = arith.cmpi eq, %broadcast_in_dim3A_126, %eq3A_131 : vector<1024x1xi32>
    %slice3A_133 = vector.extract_strided_slice %slice3A_123 {offsets = [0, 0], sizes = [1024, 32], strides = [1, 1]} : vector<1024x128xi32> to vector<1024x32xi32>
    %slice3A_134 = vector.extract_strided_slice %slice3A_123 {offsets = [0, 32], sizes = [1024, 32], strides = [1, 1]} : vector<1024x128xi32> to vector<1024x32xi32>
    %broadcast_in_dim3A_135 = vector.shape_cast %eq3A_132 : vector<1024x1xi1> to vector<1024x1xi1>
    %broadcast_in_dim3A_136 = vector.broadcast %broadcast_in_dim3A_135 : vector<1024x1xi1> to vector<1024x32xi1>
    %select_n3A_137 = arith.select %broadcast_in_dim3A_136, %slice3A_133, %slice3A_134 : vector<1024x32xi1>, vector<1024x32xi32>
    %eq3A_138 = arith.constant 2 : i32
    %eq3A_139 = vector.broadcast %eq3A_138 : i32 to vector<1024x1xi32>
    %eq3A_140 = arith.cmpi eq, %broadcast_in_dim3A_126, %eq3A_139 : vector<1024x1xi32>
    %slice3A_141 = vector.extract_strided_slice %slice3A_123 {offsets = [0, 64], sizes = [1024, 32], strides = [1, 1]} : vector<1024x128xi32> to vector<1024x32xi32>
    %slice3A_142 = vector.extract_strided_slice %slice3A_123 {offsets = [0, 96], sizes = [1024, 32], strides = [1, 1]} : vector<1024x128xi32> to vector<1024x32xi32>
    %broadcast_in_dim3A_143 = vector.shape_cast %eq3A_140 : vector<1024x1xi1> to vector<1024x1xi1>
    %broadcast_in_dim3A_144 = vector.broadcast %broadcast_in_dim3A_143 : vector<1024x1xi1> to vector<1024x32xi1>
    %select_n3A_145 = arith.select %broadcast_in_dim3A_144, %slice3A_141, %slice3A_142 : vector<1024x32xi1>, vector<1024x32xi32>
    %broadcast_in_dim3A_146 = vector.shape_cast %lt3A_129 : vector<1024x1xi1> to vector<1024x1xi1>
    %broadcast_in_dim3A_147 = vector.broadcast %broadcast_in_dim3A_146 : vector<1024x1xi1> to vector<1024x32xi1>
    %select_n3A_148 = arith.select %broadcast_in_dim3A_147, %select_n3A_137, %select_n3A_145 : vector<1024x32xi1>, vector<1024x32xi32>
    %shift_left3A_149 = arith.constant 16 : i32
    %shift_left3A_150 = vector.broadcast %shift_left3A_149 : i32 to vector<1024x32xi32>
    %shift_left3A_151 = arith.shli %select_n3A_148, %shift_left3A_150 : vector<1024x32xi32>
    %bitcast_convert_type3A_152 = tpu.bitcast %shift_left3A_151 : vector<1024x32xi32> -> vector<1024x32xf32>
    %and3A_153 = arith.constant -65536 : i32
    %and3A_154 = vector.broadcast %and3A_153 : i32 to vector<1024x32xi32>
    %and3A_155 = arith.andi %select_n3A_148, %and3A_154 : vector<1024x32xi32>
    %bitcast_convert_type3A_156 = tpu.bitcast %and3A_155 : vector<1024x32xi32> -> vector<1024x32xf32>
    %concatenate3A_157 = tpu.concatenate %bitcast_convert_type3A_51, %bitcast_convert_type3A_54, %bitcast_convert_type3A_84, %bitcast_convert_type3A_88, %bitcast_convert_type3A_118, %bitcast_convert_type3A_122, %bitcast_convert_type3A_152, %bitcast_convert_type3A_156 in 1 : vector<1024x32xf32>, vector<1024x32xf32>, vector<1024x32xf32>, vector<1024x32xf32>, vector<1024x32xf32>, vector<1024x32xf32>, vector<1024x32xf32>, vector<1024x32xf32> -> vector<1024x256xf32>
    %dot_general3A_158 = arith.constant dense<0.000000e+00> : vector<256x1024xf32>
    %dot_general3A_159 = tpu.matmul %concatenate3A_19, %concatenate3A_157, %dot_general3A_158 {dimension_numbers = #tpu.dot_dimension_numbers<[1], [1], [0], [0], [0, 0, 1, 0], [], []>, transpose_lhs_hint = false} : vector<256x256xf32>, vector<1024x256xf32>, vector<256x1024xf32> -> vector<256x1024xf32>
    %get3A_160 = arith.constant 0 : index
    %get3A_161 = arith.constant 0 : index
    %get3A_162 = arith.constant 0 : index
    %get3A_163 = vector.load %arg3[%get3A_160, %get3A_161, %get3A_162] : memref<1x4x1024xf32, #tpu.memory_space<vmem>>, vector<1x4x1024xf32>
    %reshape3A_164 = vector.shape_cast %get3A_163 : vector<1x4x1024xf32> to vector<4x1024xf32>
    %broadcast_in_dim3A_165 = vector.shape_cast %reshape3A_164 : vector<4x1024xf32> to vector<4x1x1024xf32>
    %broadcast_in_dim3A_166 = vector.shape_cast %broadcast_in_dim3A_165 : vector<4x1x1024xf32> to vector<4x1x1024xf32>
    %broadcast_in_dim3A_167 = vector.broadcast %broadcast_in_dim3A_166 : vector<4x1x1024xf32> to vector<4x64x1024xf32>
    %reshape3A_168 = vector.shape_cast %broadcast_in_dim3A_167 : vector<4x64x1024xf32> to vector<256x1024xf32>
    %concatenate3A_169 = tpu.concatenate %dot_general3A_6, %dot_general3A_6, %dot_general3A_6, %dot_general3A_6 in 0 : vector<64x1xf32>, vector<64x1xf32>, vector<64x1xf32>, vector<64x1xf32> -> vector<256x1xf32>
    %concatenate3A_170 = tpu.concatenate %add3A, %add3A, %add3A, %add3A in 0 : vector<64x1xf32>, vector<64x1xf32>, vector<64x1xf32>, vector<64x1xf32> -> vector<256x1xf32>
    %mul3A = vector.broadcast %concatenate3A_169 : vector<256x1xf32> to vector<256x1024xf32>
    %mul3A_171 = arith.mulf %mul3A, %reshape3A_168 : vector<256x1024xf32>
    %add3A_172 = arith.addf %dot_general3A_159, %mul3A_171 : vector<256x1024xf32>
    %add3A_173 = vector.broadcast %concatenate3A_170 : vector<256x1xf32> to vector<256x1024xf32>
    %add3A_174 = arith.addf %add3A_172, %add3A_173 : vector<256x1024xf32>
    %reshape3A_175 = vector.shape_cast %add3A_174 : vector<256x1024xf32> to vector<4x64x1024xf32>
    %swap3A = arith.constant 0 : index
    %swap3A_176 = arith.constant 0 : index
    %swap3A_177 = arith.constant 0 : index
    %swap3A_178 = vector.load %arg9[%swap3A, %swap3A_176, %swap3A_177] : memref<4x64x1024xf32, #tpu.memory_space<vmem>>, vector<4x64x1024xf32>
    tpu.vector_store %arg9[%swap3A, %swap3A_176, %swap3A_177], %reshape3A_175 {strides = array<i32>} : memref<4x64x1024xf32, #tpu.memory_space<vmem>>, vector<4x64x1024xf32>,
    return
  }
  func.func @transform_0(%arg0: i32, %arg1: i32) -> (i32, i32) {
    %c0_i32 = arith.constant 0 : i32
    return %arg0, %arg1 : i32, i32
  }
  func.func @transform_1(%arg0: i32, %arg1: i32) -> (i32, i32, i32) {
    %c0_i32 = arith.constant 0 : i32
    %c0_i32_0 = arith.constant 0 : i32
    return %arg1, %c0_i32, %arg0 : i32, i32, i32
  }
  func.func @transform_2(%arg0: i32, %arg1: i32) -> (i32, i32, i32) {
    %c0_i32 = arith.constant 0 : i32
    %c0_i32_0 = arith.constant 0 : i32
    return %arg1, %c0_i32, %arg0 : i32, i32, i32
  }
  func.func @transform_3(%arg0: i32, %arg1: i32) -> (i32, i32) {
    %c0_i32 = arith.constant 0 : i32
    %c0_i32_0 = arith.constant 0 : i32
    %c0_i32_1 = arith.constant 0 : i32
    return %c0_i32, %c0_i32_0 : i32, i32
  }
  func.func @transform_4(%arg0: i32, %arg1: i32) -> (i32, i32) {
    %c0_i32 = arith.constant 0 : i32
    %c0_i32_0 = arith.constant 0 : i32
    %c0_i32_1 = arith.constant 0 : i32
    return %c0_i32, %c0_i32_0 : i32, i32
  }
  func.func @transform_5(%arg0: i32, %arg1: i32) -> (i32, i32) {
    %c0_i32 = arith.constant 0 : i32
    %c0_i32_0 = arith.constant 0 : i32
    %c0_i32_1 = arith.constant 0 : i32
    return %c0_i32, %c0_i32_0 : i32, i32
  }
  func.func @transform_6(%arg0: i32, %arg1: i32) -> (i32, i32) {
    %c0_i32 = arith.constant 0 : i32
    %c0_i32_0 = arith.constant 0 : i32
    %c0_i32_1 = arith.constant 0 : i32
    return %c0_i32, %c0_i32_0 : i32, i32
  }
  func.func @transform_7(%arg0: i32, %arg1: i32) -> (i32, i32, i32) {
    %c0_i32 = arith.constant 0 : i32
    %c0_i32_0 = arith.constant 0 : i32
    return %arg1, %c0_i32, %arg0 : i32, i32, i32
  }
}

</mosaic_0001>

<sc_bundles>
// kernel: kernel.5.cloned.1.call-start
scs
__scs_entry_jumppad:
0x0: {  	(pc) =	sbr.rel $0x88, $3  }
0x1: {  	(tag) =	ssettag $0x0;
	lr =	simm.s32 $0x1  }
0x2: {  	[smem:$0x3F9A] =	sst lr;
	_ =	strace $0xD0000000  }
0x3: {  	_ = 	snop  }
0x4: {  	_ = 	snop  }
0x5: {  	_ = 	snop  }
0x6: {  	_ = 	snop  }
0x7: {  	_ = 	snop  }
__scs_overlays_trampoline_lowered:
0x8: {  	[smem:$0x3FA9] =	sst s0  }
0x9: {  	[smem:$0x3FAA] =	sst s1  }
0xa: {  	[smem:$0x3FAB] =	sst s2  }
0xb: {  	[smem:$0x3FAC] =	sst s3  }
0xc: {  	[smem:$0x3FAD] =	sst s4  }
0xd: {  	[smem:$0x3FAE] =	sst s5  }
0xe: {  	[smem:$0x3FAF] =	sst s6  }
0xf: {  	[smem:$0x3FB0] =	sst s7  }
0x10: {  	[smem:$0x3FB1] =	sst s8  }
0x11: {  	[smem:$0x3FB2] =	sst s9;
	s0 =	simm.s32 @!p0 $0x0  }
0x12: {  	s1 =	sld [smem:$0x3F98];
	s0 =	simm.s32 @p0 $0x1  }
0x13: {  	[smem:$0x3FB3] =	sst s0;
	s0 =	simm.s32 @!p1 $0x0  }
0x14: {  	s2 =	sld [smem:$0x3F97];
	s0 =	simm.s32 @p1 $0x1  }
0x15: {  	[smem:$0x3FB4] =	sst s0;
	s0 =	simm.s32 @!p2 $0x0  }
0x16: {  	s3 =	sld [smem:$0x3FDB];
	s0 =	simm.s32 @p2 $0x1  }
0x17: {  	s4 =	simm.s32 $0x1BF5;
	[smem:$0x3FB6] =	sst s0  }
0x18: {  	s0 =	sld [smem:$0x3F99];
	_ =	swait.ge [sflag:s4], $0x0  }
0x19: {  	s7 =	sld [smem:$0x3F9A]  }
0x1a: {  	s8 =	sadd.s32 $0xFFFFE003, lr  }
0x1b: {  	s9 =	sadd.s32 $0xFFFFFEF7, lr;
	s5 =	simm.s32 $0xFFFFFFFF;
	p2 =	slt.u32 s8, $0xFFFFF086  }
0x1c: {  	p1 =	slt.u32 s9, $0xF7A;
	s5 =	simm.s32 @!p2 $0x0  }
0x1d: {  	s5 =	simm.s32 @p1 $0x1;
	p0 =	seq.s32 s7, s2  }
0x1e: {  	s7 =	smul.u32 @!p0 $0xF7A, s2;
	p2 =	seq.s32 @!p0 s5, $0x0  }
0x1f: {  	s9 =	smul.u32 $0xF7A, s1;
	s8 =	simm.s32 @!p0 $0x1BF5;
	p2 =	por !p2, p0  }
0x20: {  	[sflag:s8] =	ssyncset.s32 @!p0 $0xFFFFF086;
	s6 =	sadd.s32 @!p0 s3, s7;
	s7 =	simm.s32 @!p0 $0x108  }
0x21: {  	s3 =	sadd.s32 s3, s9;
	s6 =	sadd.s32 @!p0 $0x88, s6;
	s7 =	simm.s32 @p2 $0x1082  }
0x22: {  	[simem:s7], [sflag:s8] =	dma.local @!p0 [hbm:s6], $0xF7A  }
0x23: {  	s9 =	sor.u32 $0xD0000000, s2;
	s6 =	simm.s32 $0x108;
	_ =	swait.ge @!p0 [sflag:s8], $0x0  }
0x24: {  	s3 =	sadd.s32 $0x88, s3;
	s6 =	simm.s32 @!p1 $0x1082;
	[sflag:s4] =	ssyncset.s32 $0xFFFFF086  }
0x25: {  	[simem:s6], [sflag:s4] =	dma.local [hbm:s3], $0xF7A  }
0x26: {  	[smem:$0x3F9A] =	sst s1;
	(tag) =	ssettag s2;
	_ =	strace s9  }
0x27: {  	s1 =	sld [smem:$0x3FAA]  }
0x28: {  	s2 =	sld [smem:$0x3FAB]  }
0x29: {  	s4 =	sld [smem:$0x3FAD]  }
0x2a: {  	p0 =	seq.s32 s5, $0x0;
	s5 =	sld [smem:$0x3FAE]  }
0x2b: {  	s6 =	sld [smem:$0x3FAF]  }
0x2c: {  	s7 =	sld [smem:$0x3FB0]  }
0x2d: {  	s3 =	simm.s32 $0x108;
	s8 =	sld [smem:$0x3FB1]  }
0x2e: {  	s3 =	simm.s32 @!p0 $0x1082;
	s9 =	sld [smem:$0x3FB2]  }
0x2f: {  	lr =	sadd.s32 s0, s3;
	s0 =	sld [smem:$0x3FA9]  }
0x30: {  	s3 =	sld [smem:$0x3FAC]  }
0x31: {  	[smem:$0x3FB5] =	sst s10  }
0x32: {  	s10 =	sld [smem:$0x3FB3];
	_ =	sdelay $0x3  }
0x33: {  	p0 =	seq.s32 s10, $0x1;
	s10 =	sld [smem:$0x3FB5];
	_ =	sdelay $0x3  }
0x34: {  	[smem:$0x3FB5] =	sst s10  }
0x35: {  	s10 =	sld [smem:$0x3FB4];
	_ =	sdelay $0x3  }
0x36: {  	p1 =	seq.s32 s10, $0x1;
	s10 =	sld [smem:$0x3FB5];
	_ =	sdelay $0x3  }
0x37: {  	[smem:$0x3FB5] =	sst s10  }
0x38: {  	s10 =	sld [smem:$0x3FB6]  }
0x39: {  	_ = 	snop;
	(pc) =	sbr.ind lr, $3  }
0x3a: {  	_ = 	snop  }
0x3b: {  	_ = 	snop  }
0x3c: {  	p2 =	seq.s32 s10, $0x1;
	s10 =	sld [smem:$0x3FB5]  }
0x3d: {  	_ =	shalt  }
0x3e: {  	_ =	shalt  }
0x3f: {  	_ =	shalt  }
0x40: {  	_ =	shalt  }
0x41: {  	_ =	shalt  }
0x42: {  	_ =	shalt  }
0x43: {  	_ =	shalt  }
0x44: {  	_ =	shalt  }
0x45: {  	_ =	shalt  }
0x46: {  	_ =	shalt  }
0x47: {  	_ =	shalt  }
0x48: {  	_ =	shalt  }
0x49: {  	_ =	shalt  }
0x4a: {  	_ =	shalt  }
0x4b: {  	_ =	shalt  }
0x4c: {  	_ =	shalt  }
0x4d: {  	_ =	shalt  }
0x4e: {  	_ =	shalt  }
0x4f: {  	_ =	shalt  }
0x50: {  	_ =	shalt  }
0x51: {  	_ =	shalt  }
0x52: {  	_ =	shalt  }
0x53: {  	_ =	shalt  }
0x54: {  	_ =	shalt  }
0x55: {  	_ =	shalt  }
0x56: {  	_ =	shalt  }
0x57: {  	_ =	shalt  }
0x58: {  	_ =	shalt  }
0x59: {  	_ =	shalt  }
0x5a: {  	_ =	shalt  }
0x5b: {  	_ =	shalt  }
0x5c: {  	_ =	shalt  }
0x5d: {  	_ =	shalt  }
0x5e: {  	_ =	shalt  }
0x5f: {  	_ =	shalt  }
0x60: {  	_ =	shalt  }
0x61: {  	_ =	shalt  }
0x62: {  	_ =	shalt  }
0x63: {  	_ =	shalt  }
0x64: {  	_ =	shalt  }
0x65: {  	_ =	shalt  }
0x66: {  	_ =	shalt  }
0x67: {  	_ =	shalt  }
0x68: {  	_ =	shalt  }
0x69: {  	_ =	shalt  }
0x6a: {  	_ =	shalt  }
0x6b: {  	_ =	shalt  }
0x6c: {  	_ =	shalt  }
0x6d: {  	_ =	shalt  }
0x6e: {  	_ =	shalt  }
0x6f: {  	_ =	shalt  }
0x70: {  	_ =	shalt  }
0x71: {  	_ =	shalt  }
0x72: {  	_ =	shalt  }
0x73: {  	_ =	shalt  }
0x74: {  	_ =	shalt  }
0x75: {  	_ =	shalt  }
0x76: {  	_ =	shalt  }
0x77: {  	_ =	shalt  }
0x78: {  	_ =	shalt  }
0x79: {  	_ =	shalt  }
0x7a: {  	_ =	shalt  }
0x7b: {  	_ =	shalt  }
0x7c: {  	_ =	shalt  }
0x7d: {  	_ =	shalt  }
0x7e: {  	_ =	shalt  }
0x7f: {  	_ =	shalt  }
0x80: {  	_ =	shalt  }
0x81: {  	_ =	shalt  }
0x82: {  	_ =	shalt  }
0x83: {  	_ =	shalt  }
0x84: {  	_ =	shalt  }
0x85: {  	_ =	shalt  }
0x86: {  	_ =	shalt  }
0x87: {  	_ =	shalt  }
.Lfunc_end0:
.L_simem_size_0:
called_computation_lowered:
.L_overlay_start_0:
0x88: {  	s2 =	sld [smem:$0x3FD9]  }
0x89: {  	s3 =	sld [smem:$0x3FFE];
	_ =	sdelay $0x1  }
0x8a: {  	s1 =	srdreg.scid  }
0x8b: {  	s0 =	sand.u32 $0x1, s1  }
0x8c: {  	s17 =	sshll.u32 s0, $0xA;
	s2 =	sadd.s32 s3, s2  }
0x8d: {  	s2 =	sadd.s32 s2, s17  }
0x8e: {  	[smem:$0x3FC1] =	sst s2  }
0x8f: {  	_ = 	snop  }
0x90: {  	s2 =	sld [smem:$0x3FD0];
	(tm) =	ssettm $0x1  }
0x91: {  	s18 =	sld [smem:$0x3FFB];
	_ =	sdelay $0x3  }
0x92: {  	_ =	strace s18  }
0x93: {  	s3 =	sld [smem:$0x3FFC];
	_ =	sdelay $0x3  }
0x94: {  	_ =	strace s3  }
0x95: {  	s3 =	sld [smem:$0x3FFD];
	_ =	sdelay $0x3  }
0x96: {  	_ =	strace s3  }
0x97: {  	_ =	strace $0x8FFFFFFF  }
0x98: {  	s19 =	sld [smem:$0x3FDB];
	_ =	sdelay $0x1  }
0x99: {  	s4 =	simm.s32 $_scs_section_size  }
0x9a: {  	s5 =	simm.s32 $_size__tile_overlayer_lowered;
	s6 =	simm.s32 $_tile_overlayer_lowered  }
0x9b: {  	s22 =	simm.s32 $0x1BFF;
	s21 =	sshll.u32 s6, $0x1;
	s3 =	sadd.s32 s4, s19  }
0x9c: {  	s7 =	simm.s32 $0x0;
	s20 =	sshll.u32 s5, $0x1;
	s5 =	sadd.s32 s21, s3  }
0x9d: {  	[timem:s7], [sflag:s22] =	dma.local [hbm:s5], s20  }
0x9e: {  	_ =	swait.ge [sflag:s22], s20  }
0x9f: {  	s4 =	ssub.s32 $0x0, s20;
	[sflag:s22] =	ssyncset.done $0x0  }
0xa0: {  	[sflag:s22] =	ssyncadd.s32 s4;
	_ =	sdelay $0x1  }
0xa1: {  	s23 =	simm.s32 $0x1B8B  }
0xa2: {  	_ =	swait.ge [sflag:s23], $0x1  }
0xa3: {  	[sflag:s23] =	ssyncset.done $0x0  }
0xa4: {  	s25 =	simm.s32 $0x1B8E;
	s24 =	sld [smem:$0x3FFE];
	[sflag:s23] =	ssyncadd.s32 $0xFFFFFFFF  }
0xa5: {  	s26 =	simm.s32 $execute0_lowered;
	[smem:$0x3FD2] =	sst s25  }
0xa6: {  	s5 =	sshll.u32 s26, $0x1;
	_ =	strace $0x80000046;
	[dreg:$0x1] =	wrdreg $0xFFFFFFFF  }
0xa7: {  	s28 =	simm.s32 $_size_execute0_lowered;
	s3 =	sadd.s32 s3, s5;
	[dreg:$0x0] =	wrdreg $0x0  }
0xa8: {  	s5 =	sshll.u32 s28, $0x1;
	[dreg:$0x2] =	wrdreg s3  }
0xa9: {  	[dreg:$0x3] =	wrdreg s5  }
0xaa: {  	[dreg:$0x4] =	wrdreg $0xC0  }
0xab: {  	_ =	task [dreg:s7], $0x5FFFF  }
0xac: {  	[dreg:$0x1] =	wrdreg $0xFFFFFFFF  }
0xad: {  	[dreg:$0x0] =	wrdreg $0x60  }
0xae: {  	[dreg:$0x2] =	wrdreg s2  }
0xaf: {  	[dreg:$0x3] =	wrdreg s24  }
0xb0: {  	[dreg:$0x4] =	wrdreg $0x9  }
0xb1: {  	_ =	task.clear_ibuf [dreg:s7], $0x5FFFF;
	_ =	strace $0x90000046  }
0xb2: {  	s29 =	simm.s32 $0x9;
	_ =	strace $0x80000048  }
0xb3: {  	_ =	swait.ge [sflag:s29], $0x1  }
0xb4: {  	[sflag:s29] =	ssyncadd.s32 $0xFFFFFFFF  }
0xb5: {  	_ =	strace $0x90000048  }
0xb6: {  	_ =	sfence  }
0xb7: {  	s30 =	sld [smem:$0x0];
	_ =	sdelay $0x2  }
0xb8: {  	s31 =	sshll.u32 s1, $0xD;
	s1 =	sshrl.u32 s1, $0x2  }
0xb9: {  	s3 =	sand.u32 $0x4000, s31;
	s1 =	sadd.s32 s1, s30  }
0xba: {  	s0 =	sor.u32 s3, s0;
	s1 =	sshll.u32 s1, $0x11  }
0xbb: {  	s0 =	sor.u32 s1, s0  }
0xbc: {  	s0 =	sadd.s32 $0x8F2B, s0  }
0xbd: {  	[sflag:s0] =	ssyncadd.remote.s32 $0x1  }
0xbe: {  	_ =	sfence.sel $0xFFFF  }
0xbf: {  	[dreg:$0x0] =	wrdreg $0xFFFFFFFF;
	(pc) =	sbr.abs _section_cstart, $3  }
0xc0: {  	[dreg:$0x1] =	wrdreg $0xFFFFFFFF  }
0xc1: {  	_ =	task.clear_ibuf [dreg:s7], $0x2FFFF;
	_ =	strace $0x9FFFFFFF  }
0xc2: {  	(tm) =	ssettm $0x7FFFFFFF  }
0xc3: {  	_ =	shalt  }
tec
execute0_lowered:
.L_overlay_start_1:
0x0: {  	(tag) =	ssettag $0x1  }
0x1: {  	s0 =	srdreg.scid;
	s2 =	rddreg [dreg:$0x0]  }
0x2: {  	s1 =	stileid.u32;
	s4 =	rddreg [dreg:$0x1];
	s9 =	simm.s32 $0x2  }
0x3: {  	s10 =	simm.s32 $0x6400;
	s16 =	simm.s32 $0xE400;
	s30 =	simm.s32 $0xEC00  }
0x4: {  	s31 =	simm.s32 $0x15400;
	s7 =	simm.s32 $0xF000;
	s8 =	simm.s32 $0x10000  }
0x5: {  	s11 =	simm.s32 $0x11000;
	s12 =	simm.s32 $0x11800;
	s13 =	simm.s32 $0x12000  }
0x6: {  	s14 =	simm.s32 $0x12800;
	s15 =	simm.s32 $0x13000;
	s17 =	simm.s32 $0x13800  }
0x7: {  	s18 =	simm.s32 $0x14000;
	s19 =	simm.s32 $0x14800;
	s20 =	simm.s32 $0x15000  }
0x8: {  	s21 =	simm.s32 $0x15800;
	s22 =	simm.s32 $0x16000;
	s0 =	sand.u32 $0x1, s0  }
0x9: {  	s23 =	simm.s32 $0x1;
	s1 =	sshll.u32 s1, $0x8;
	s3 =	sshll.u32 s0, $0x7  }
0xa: {  	s24 =	simm.s32 $0x800;
	s0 =	ssub.s32 $0x2, s0;
	s1 =	sor.u32 s3, s1  }
0xb: {  	s3 =	simm.s32 $0x0;
	s6 =	sshrl.u32 s0, $0x1;
	s5 =	sshrl.u32 s1, $0x3  }
0xc: {  	[smem:$0x7FF] =	sst s3;
	s1 =	sadd.s32 s1, s4;
	s5 =	smul.u32 $0x6400, s5  }
.Ltmp0:
0xd: {  	s0 =	ssub.s32 s0, s6;
	s1 =	sadd.s32 $0x1A200, s1;
	(pc) =	sbr.rel .LBB2_1-.Ltmp0, $4  }
0xe: {  	_ =	strace $0x80000047;
	s0 =	smax.u32 s0, $0x1;
	[dreg:$0x3] =	wrdreg s1  }
0xf: {  	v2 =	vlaneseq.u32;
	s25 =	simm.s32 $0x32000;
	s28 =	simm.s32 $0x0;
	[dreg:$0x4] =	wrdreg s0  }
0x10: {  	vm0 =	vmmov $0xff;
	v1 =	vshrl.u32 v2, $0x3;
	s1 =	simm.s32 $0x15C00;
	s0 =	simm.s32 $0xE800;
	s4 =	sadd.s32 s5, s4  }
0x11: {  	v0 =	vand.u32 $0x7, v2;
	v2 =	vor.u32 $0x8, v2;
	v1 =	vmul.u32 $0x8, v1;
	s5 =	simm.s32 $0x10800;
	s6 =	sadd.s32 $0x33200, s4;
	s4 =	simm.s32 $0xF800  }
.LBB2_5:
0x12: {  	s28 =	rddreg [dreg:$0x5]  }
0x13: {  	s26 =	rddreg [dreg:$0x4];
	s28 =	sadd.s32 $0x1, s28  }
0x14: {  	p0 =	sne.s32 s28, s26  }
.Ltmp1:
0x15: {  	_ = 	snop;
	(pc) =	sbr.rel @!p0 .LBB2_6-.Ltmp1, $1  }
0x16: {  	_ =	sdelay $0x3  }
.LBB2_1:
0x17: {  	[dreg:$0x5] =	wrdreg s28  }
0x18: {  	s26 =	rddreg [dreg:$0x3];
	s28 =	simm.s32 $0x400;
	s29 =	simm.s32 $0x8000  }
0x19: {  	[tilespmem:s3], [sflag:$0x2] =	stream.strided.gather [hbm4b:s26+s28], $0x6400, s29, s28, $0x38;
	[tilespmem:$0x16400] =	vst v63  }
0x1a: {  	_ =	swait.ge [sflag:s9], $0x6400  }
0x1b: {  	[sflag:s9] =	ssyncset.done $0x0  }
0x1c: {  	[sflag:s9] =	ssyncadd.s32 $0xFFFF9C00  }
0x1d: {  	v3 =	vld [tilespmem:$0x0];
	_ =	sdelay $0x4  }
0x1e: {  	v4 =	vperm.xlane v3, v0;
	_ =	sdelay $0x1  }
0x1f: {  	v3 =	vperm.xlane v3, v2;
	v4 =	vadd.s32 v1, v4;
	_ =	sdelay $0x1  }
0x20: {  	v3 =	vadd.s32 v1, v3;
	_ =	sdelay $0x2  }
0x21: {  	[tilespmem:s10], [sflag:$0x1] =	stream.indirect_vreg.gather [hbm4b:s2+s3], $0x80, v4, vm0, $0xb8;
	[tilespmem:$0x16400] =	vst v63  }
0x22: {  	s26 =	simm.s32 $0x6C00  }
0x23: {  	[tilespmem:s26], [sflag:$0x1] =	stream.indirect_vreg.gather [hbm4b:s2+s3], $0x80, v3, vm0, $0xb8;
	[tilespmem:$0x16400] =	vst v63  }
0x24: {  	v3 =	vld [tilespmem:$0x10];
	_ =	sdelay $0x4  }
0x25: {  	v49 =	vperm.xlane v3, v0;
	_ =	sdelay $0x1  }
0x26: {  	v3 =	vperm.xlane v3, v2;
	v4 =	vadd.s32 v1, v49;
	_ =	sdelay $0x1  }
0x27: {  	v3 =	vadd.s32 v1, v3;
	_ =	sdelay $0x1  }
0x28: {  	s26 =	simm.s32 $0x7400  }
0x29: {  	[tilespmem:s26], [sflag:$0x1] =	stream.indirect_vreg.gather [hbm4b:s2+s3], $0x80, v4, vm0, $0xb8;
	[tilespmem:$0x16400] =	vst v63  }
0x2a: {  	s26 =	simm.s32 $0x7C00  }
0x2b: {  	[tilespmem:s26], [sflag:$0x1] =	stream.indirect_vreg.gather [hbm4b:s2+s3], $0x80, v3, vm0, $0xb8;
	[tilespmem:$0x16400] =	vst v63  }
0x2c: {  	v3 =	vld [tilespmem:$0x20];
	_ =	sdelay $0x4  }
0x2d: {  	v50 =	vperm.xlane v3, v0;
	_ =	sdelay $0x1  }
0x2e: {  	v3 =	vperm.xlane v3, v2;
	v4 =	vadd.s32 v1, v50;
	_ =	sdelay $0x1  }
0x2f: {  	v3 =	vadd.s32 v1, v3;
	_ =	sdelay $0x1  }
0x30: {  	s26 =	simm.s32 $0x8400  }
0x31: {  	[tilespmem:s26], [sflag:$0x1] =	stream.indirect_vreg.gather [hbm4b:s2+s3], $0x80, v4, vm0, $0xb8;
	[tilespmem:$0x16400] =	vst v63  }
0x32: {  	s26 =	simm.s32 $0x8C00  }
0x33: {  	[tilespmem:s26], [sflag:$0x1] =	stream.indirect_vreg.gather [hbm4b:s2+s3], $0x80, v3, vm0, $0xb8;
	[tilespmem:$0x16400] =	vst v63  }
0x34: {  	v3 =	vld [tilespmem:$0x30];
	_ =	sdelay $0x4  }
0x35: {  	v51 =	vperm.xlane v3, v0;
	_ =	sdelay $0x1  }
0x36: {  	v3 =	vperm.xlane v3, v2;
	v4 =	vadd.s32 v1, v51;
	_ =	sdelay $0x1  }
0x37: {  	v3 =	vadd.s32 v1, v3;
	_ =	sdelay $0x1  }
0x38: {  	s26 =	simm.s32 $0x9400  }
0x39: {  	[tilespmem:s26], [sflag:$0x1] =	stream.indirect_vreg.gather [hbm4b:s2+s3], $0x80, v4, vm0, $0xb8;
	[tilespmem:$0x16400] =	vst v63  }
0x3a: {  	s26 =	simm.s32 $0x9C00  }
0x3b: {  	[tilespmem:s26], [sflag:$0x1] =	stream.indirect_vreg.gather [hbm4b:s2+s3], $0x80, v3, vm0, $0xb8;
	[tilespmem:$0x16400] =	vst v63  }
0x3c: {  	v3 =	vld [tilespmem:$0x40];
	_ =	sdelay $0x4  }
0x3d: {  	v52 =	vperm.xlane v3, v0;
	_ =	sdelay $0x1  }
0x3e: {  	v3 =	vperm.xlane v3, v2;
	v4 =	vadd.s32 v1, v52;
	_ =	sdelay $0x1  }
0x3f: {  	v3 =	vadd.s32 v1, v3;
	_ =	sdelay $0x1  }
0x40: {  	s26 =	simm.s32 $0xA400  }
0x41: {  	[tilespmem:s26], [sflag:$0x1] =	stream.indirect_vreg.gather [hbm4b:s2+s3], $0x80, v4, vm0, $0xb8;
	[tilespmem:$0x16400] =	vst v63  }
0x42: {  	s26 =	simm.s32 $0xAC00  }
0x43: {  	[tilespmem:s26], [sflag:$0x1] =	stream.indirect_vreg.gather [hbm4b:s2+s3], $0x80, v3, vm0, $0xb8;
	[tilespmem:$0x16400] =	vst v63  }
0x44: {  	v3 =	vld [tilespmem:$0x50];
	_ =	sdelay $0x4  }
0x45: {  	v53 =	vperm.xlane v3, v0;
	_ =	sdelay $0x1  }
0x46: {  	v3 =	vperm.xlane v3, v2;
	v4 =	vadd.s32 v1, v53;
	_ =	sdelay $0x1  }
0x47: {  	v3 =	vadd.s32 v1, v3;
	_ =	sdelay $0x1  }
0x48: {  	s26 =	simm.s32 $0xB400  }
0x49: {  	[tilespmem:s26], [sflag:$0x1] =	stream.indirect_vreg.gather [hbm4b:s2+s3], $0x80, v4, vm0, $0xb8;
	[tilespmem:$0x16400] =	vst v63  }
0x4a: {  	s26 =	simm.s32 $0xBC00  }
0x4b: {  	[tilespmem:s26], [sflag:$0x1] =	stream.indirect_vreg.gather [hbm4b:s2+s3], $0x80, v3, vm0, $0xb8;
	[tilespmem:$0x16400] =	vst v63  }
0x4c: {  	v3 =	vld [tilespmem:$0x60];
	_ =	sdelay $0x4  }
0x4d: {  	v54 =	vperm.xlane v3, v0;
	_ =	sdelay $0x1  }
0x4e: {  	v3 =	vperm.xlane v3, v2;
	v4 =	vadd.s32 v1, v54;
	_ =	sdelay $0x1  }
0x4f: {  	v3 =	vadd.s32 v1, v3;
	_ =	sdelay $0x1  }
0x50: {  	s26 =	simm.s32 $0xC400  }
0x51: {  	[tilespmem:s26], [sflag:$0x1] =	stream.indirect_vreg.gather [hbm4b:s2+s3], $0x80, v4, vm0, $0xb8;
	[tilespmem:$0x16400] =	vst v63  }
0x52: {  	s26 =	simm.s32 $0xCC00  }
0x53: {  	[tilespmem:s26], [sflag:$0x1] =	stream.indirect_vreg.gather [hbm4b:s2+s3], $0x80, v3, vm0, $0xb8;
	[tilespmem:$0x16400] =	vst v63  }
0x54: {  	v3 =	vld [tilespmem:$0x70];
	_ =	sdelay $0x4  }
0x55: {  	v55 =	vperm.xlane v3, v0;
	_ =	sdelay $0x1  }
0x56: {  	v3 =	vperm.xlane v3, v2;
	v4 =	vadd.s32 v1, v55;
	_ =	sdelay $0x1  }
0x57: {  	v3 =	vadd.s32 v1, v3;
	_ =	sdelay $0x1  }
0x58: {  	s26 =	simm.s32 $0xD400  }
0x59: {  	[tilespmem:s26], [sflag:$0x1] =	stream.indirect_vreg.gather [hbm4b:s2+s3], $0x80, v4, vm0, $0xb8;
	[tilespmem:$0x16400] =	vst v63  }
0x5a: {  	s26 =	simm.s32 $0xDC00  }
0x5b: {  	[tilespmem:s26], [sflag:$0x1] =	stream.indirect_vreg.gather [hbm4b:s2+s3], $0x80, v3, vm0, $0xb8;
	[tilespmem:$0x16400] =	vst v63  }
0x5c: {  	v3 =	vld [tilespmem:$0x80];
	_ =	sdelay $0x4  }
0x5d: {  	v56 =	vperm.xlane v3, v0;
	_ =	sdelay $0x1  }
0x5e: {  	v3 =	vperm.xlane v3, v2;
	v4 =	vadd.s32 v1, v56;
	_ =	sdelay $0x1  }
0x5f: {  	v3 =	vadd.s32 v1, v3;
	_ =	sdelay $0x1  }
0x60: {  	s26 =	simm.s32 $0x6800  }
0x61: {  	[tilespmem:s26], [sflag:$0x1] =	stream.indirect_vreg.gather [hbm4b:s2+s3], $0x80, v4, vm0, $0xb8;
	[tilespmem:$0x16400] =	vst v63  }
0x62: {  	s26 =	simm.s32 $0x7000  }
0x63: {  	[tilespmem:s26], [sflag:$0x1] =	stream.indirect_vreg.gather [hbm4b:s2+s3], $0x80, v3, vm0, $0xb8;
	[tilespmem:$0x16400] =	vst v63  }
0x64: {  	v3 =	vld [tilespmem:$0x90];
	_ =	sdelay $0x4  }
0x65: {  	v57 =	vperm.xlane v3, v0;
	_ =	sdelay $0x1  }
0x66: {  	v3 =	vperm.xlane v3, v2;
	v4 =	vadd.s32 v1, v57;
	_ =	sdelay $0x1  }
0x67: {  	v3 =	vadd.s32 v1, v3;
	_ =	sdelay $0x1  }
0x68: {  	s26 =	simm.s32 $0x7800  }
0x69: {  	[tilespmem:s26], [sflag:$0x1] =	stream.indirect_vreg.gather [hbm4b:s2+s3], $0x80, v4, vm0, $0xb8;
	[tilespmem:$0x16400] =	vst v63  }
0x6a: {  	_ = 	snop  }
0x6b: {  	[tilespmem:s29], [sflag:$0x1] =	stream.indirect_vreg.gather [hbm4b:s2+s3], $0x80, v3, vm0, $0xb8;
	[tilespmem:$0x16400] =	vst v63  }
0x6c: {  	v3 =	vld [tilespmem:$0xA0];
	_ =	sdelay $0x4  }
0x6d: {  	v58 =	vperm.xlane v3, v0;
	_ =	sdelay $0x1  }
0x6e: {  	v3 =	vperm.xlane v3, v2;
	v4 =	vadd.s32 v1, v58;
	_ =	sdelay $0x1  }
0x6f: {  	v3 =	vadd.s32 v1, v3;
	_ =	sdelay $0x1  }
0x70: {  	s29 =	simm.s32 $0x8800  }
0x71: {  	[tilespmem:s29], [sflag:$0x1] =	stream.indirect_vreg.gather [hbm4b:s2+s3], $0x80, v4, vm0, $0xb8;
	[tilespmem:$0x16400] =	vst v63  }
0x72: {  	s29 =	simm.s32 $0x9000  }
0x73: {  	[tilespmem:s29], [sflag:$0x1] =	stream.indirect_vreg.gather [hbm4b:s2+s3], $0x80, v3, vm0, $0xb8;
	[tilespmem:$0x16400] =	vst v63  }
0x74: {  	v3 =	vld [tilespmem:$0xB0];
	_ =	sdelay $0x4  }
0x75: {  	v59 =	vperm.xlane v3, v0;
	_ =	sdelay $0x1  }
0x76: {  	v3 =	vperm.xlane v3, v2;
	v4 =	vadd.s32 v1, v59;
	_ =	sdelay $0x1  }
0x77: {  	v3 =	vadd.s32 v1, v3;
	_ =	sdelay $0x1  }
0x78: {  	s29 =	simm.s32 $0x9800  }
0x79: {  	[tilespmem:s29], [sflag:$0x1] =	stream.indirect_vreg.gather [hbm4b:s2+s3], $0x80, v4, vm0, $0xb8;
	[tilespmem:$0x16400] =	vst v63  }
0x7a: {  	s29 =	simm.s32 $0xA000  }
0x7b: {  	[tilespmem:s29], [sflag:$0x1] =	stream.indirect_vreg.gather [hbm4b:s2+s3], $0x80, v3, vm0, $0xb8;
	[tilespmem:$0x16400] =	vst v63  }
0x7c: {  	v3 =	vld [tilespmem:$0xC0];
	_ =	sdelay $0x4  }
0x7d: {  	v60 =	vperm.xlane v3, v0;
	_ =	sdelay $0x1  }
0x7e: {  	v3 =	vperm.xlane v3, v2;
	v4 =	vadd.s32 v1, v60;
	_ =	sdelay $0x1  }
0x7f: {  	v3 =	vadd.s32 v1, v3;
	_ =	sdelay $0x1  }
0x80: {  	s29 =	simm.s32 $0xA800  }
0x81: {  	[tilespmem:s29], [sflag:$0x1] =	stream.indirect_vreg.gather [hbm4b:s2+s3], $0x80, v4, vm0, $0xb8;
	[tilespmem:$0x16400] =	vst v63  }
0x82: {  	s29 =	simm.s32 $0xB000  }
0x83: {  	[tilespmem:s29], [sflag:$0x1] =	stream.indirect_vreg.gather [hbm4b:s2+s3], $0x80, v3, vm0, $0xb8;
	[tilespmem:$0x16400] =	vst v63  }
0x84: {  	v3 =	vld [tilespmem:$0xD0];
	_ =	sdelay $0x4  }
0x85: {  	v61 =	vperm.xlane v3, v0;
	_ =	sdelay $0x1  }
0x86: {  	v3 =	vperm.xlane v3, v2;
	v4 =	vadd.s32 v1, v61;
	_ =	sdelay $0x1  }
0x87: {  	v3 =	vadd.s32 v1, v3;
	_ =	sdelay $0x1  }
0x88: {  	s29 =	simm.s32 $0xB800  }
0x89: {  	[tilespmem:s29], [sflag:$0x1] =	stream.indirect_vreg.gather [hbm4b:s2+s3], $0x80, v4, vm0, $0xb8;
	[tilespmem:$0x16400] =	vst v63  }
0x8a: {  	s29 =	simm.s32 $0xC000  }
0x8b: {  	[tilespmem:s29], [sflag:$0x1] =	stream.indirect_vreg.gather [hbm4b:s2+s3], $0x80, v3, vm0, $0xb8;
	[tilespmem:$0x16400] =	vst v63  }
0x8c: {  	v3 =	vld [tilespmem:$0xE0];
	_ =	sdelay $0x4  }
0x8d: {  	v62 =	vperm.xlane v3, v0;
	_ =	sdelay $0x1  }
0x8e: {  	v3 =	vperm.xlane v3, v2;
	v4 =	vadd.s32 v1, v62;
	_ =	sdelay $0x1  }
0x8f: {  	v3 =	vadd.s32 v1, v3;
	_ =	sdelay $0x1  }
0x90: {  	s29 =	simm.s32 $0xC800  }
0x91: {  	[tilespmem:s29], [sflag:$0x1] =	stream.indirect_vreg.gather [hbm4b:s2+s3], $0x80, v4, vm0, $0xb8;
	[tilespmem:$0x16400] =	vst v63  }
0x92: {  	s29 =	simm.s32 $0xD000  }
0x93: {  	[tilespmem:s29], [sflag:$0x1] =	stream.indirect_vreg.gather [hbm4b:s2+s3], $0x80, v3, vm0, $0xb8;
	[tilespmem:$0x16400] =	vst v63  }
0x94: {  	v3 =	vld [tilespmem:$0xF0];
	_ =	sdelay $0x4  }
0x95: {  	v63 =	vperm.xlane v3, v0;
	_ =	sdelay $0x1  }
0x96: {  	v3 =	vperm.xlane v3, v2;
	v4 =	vadd.s32 v1, v63;
	_ =	sdelay $0x1  }
0x97: {  	v3 =	vadd.s32 v1, v3  }
.Ltmp2:
0x98: {  	_ = 	snop;
	(pc) =	sbr.rel .LBB2_2-.Ltmp2, $4  }
0x99: {  	s29 =	simm.s32 $0xD800  }
0x9a: {  	[tilespmem:s29], [sflag:$0x1] =	stream.indirect_vreg.gather [hbm4b:s2+s3], $0x80, v4, vm0, $0xb8;
	[tilespmem:$0x16400] =	vst v63  }
0x9b: {  	s28 =	simm.s32 $0x0;
	s26 =	simm.s32 $0x180;
	s29 =	simm.s32 $0xE000  }
0x9c: {  	[tilespmem:s29], [sflag:$0x1] =	stream.indirect_vreg.gather [hbm4b:s2+s3], $0x80, v3, vm0, $0xb8;
	[tilespmem:$0x16400] =	vst v63  }
.LBB2_4:
0x9d: {  	_ =	swait.ge [sflag:s23], $0x8000;
	s28 =	sadd.s32 $0x200, s28  }
0x9e: {  	[sflag:s23] =	ssyncset.done $0x0;
	p0 =	sne.s32 s28, $0x6400  }
.Ltmp3:
0x9f: {  	s29 =	sadd.s32 $0x100, s29;
	[sflag:s23] =	ssyncadd.s32 $0xFFFF8000;
	(pc) =	sbr.rel @!p0 .LBB2_5-.Ltmp3, $4  }
0xa0: {  	[hbm4b:s29+s24] =	stream.strided.scatter [tilespmem:s16], [sflag:$0x2], $0x8000, s25, s24, $0x38;
	[tilespmem:$0x16400] =	vst v63  }
0xa1: {  	_ =	swait.ge [sflag:s9], $0x8000  }
0xa2: {  	[sflag:s9] =	ssyncset.done $0x0  }
0xa3: {  	s26 =	sadd.s32 $0x200, s26;
	[sflag:s9] =	ssyncadd.s32 $0xFFFF8000  }
.LBB2_2:
0xa4: {  	v3 =	vld [tilespmem:s26+$0xFFFFFF80];
	_ =	sdelay $0x4  }
0xa5: {  	v4 =	vperm.xlane v3, v0;
	_ =	sdelay $0x1  }
0xa6: {  	v3 =	vperm.xlane v3, v2;
	v4 =	vadd.s32 v1, v4;
	_ =	sdelay $0x1  }
0xa7: {  	v3 =	vadd.s32 v1, v3;
	_ =	sdelay $0x2  }
0xa8: {  	[tilespmem:s16], [sflag:$0x1] =	stream.indirect_vreg.gather [hbm4b:s2+s3], $0x80, v4, vm0, $0xb8;
	[tilespmem:$0x16400] =	vst v63  }
0xa9: {  	_ = 	snop  }
0xaa: {  	[tilespmem:s30], [sflag:$0x1] =	stream.indirect_vreg.gather [hbm4b:s2+s3], $0x80, v3, vm0, $0xb8;
	[tilespmem:$0x16400] =	vst v63  }
0xab: {  	v3 =	vld [tilespmem:s26+$0xFFFFFF90];
	_ =	sdelay $0x4  }
0xac: {  	v49 =	vperm.xlane v3, v0;
	_ =	sdelay $0x1  }
0xad: {  	v3 =	vperm.xlane v3, v2;
	v4 =	vadd.s32 v1, v49;
	_ =	sdelay $0x1  }
0xae: {  	v3 =	vadd.s32 v1, v3;
	_ =	sdelay $0x1  }
0xaf: {  	s29 =	simm.s32 $0xF400  }
0xb0: {  	[tilespmem:s29], [sflag:$0x1] =	stream.indirect_vreg.gather [hbm4b:s2+s3], $0x80, v4, vm0, $0xb8;
	[tilespmem:$0x16400] =	vst v63  }
0xb1: {  	s29 =	simm.s32 $0xFC00  }
0xb2: {  	[tilespmem:s29], [sflag:$0x1] =	stream.indirect_vreg.gather [hbm4b:s2+s3], $0x80, v3, vm0, $0xb8;
	[tilespmem:$0x16400] =	vst v63  }
0xb3: {  	v3 =	vld [tilespmem:s26+$0xFFFFFFA0];
	_ =	sdelay $0x4  }
0xb4: {  	v50 =	vperm.xlane v3, v0;
	_ =	sdelay $0x1  }
0xb5: {  	v3 =	vperm.xlane v3, v2;
	v4 =	vadd.s32 v1, v50;
	_ =	sdelay $0x1  }
0xb6: {  	v3 =	vadd.s32 v1, v3;
	_ =	sdelay $0x1  }
0xb7: {  	s29 =	simm.s32 $0x10400  }
0xb8: {  	[tilespmem:s29], [sflag:$0x1] =	stream.indirect_vreg.gather [hbm4b:s2+s3], $0x80, v4, vm0, $0xb8;
	[tilespmem:$0x16400] =	vst v63  }
0xb9: {  	s29 =	simm.s32 $0x10C00  }
0xba: {  	[tilespmem:s29], [sflag:$0x1] =	stream.indirect_vreg.gather [hbm4b:s2+s3], $0x80, v3, vm0, $0xb8;
	[tilespmem:$0x16400] =	vst v63  }
0xbb: {  	v3 =	vld [tilespmem:s26+$0xFFFFFFB0];
	_ =	sdelay $0x4  }
0xbc: {  	v51 =	vperm.xlane v3, v0;
	_ =	sdelay $0x1  }
0xbd: {  	v3 =	vperm.xlane v3, v2;
	v4 =	vadd.s32 v1, v51;
	_ =	sdelay $0x1  }
0xbe: {  	v3 =	vadd.s32 v1, v3;
	_ =	sdelay $0x1  }
0xbf: {  	s29 =	simm.s32 $0x11400  }
0xc0: {  	[tilespmem:s29], [sflag:$0x1] =	stream.indirect_vreg.gather [hbm4b:s2+s3], $0x80, v4, vm0, $0xb8;
	[tilespmem:$0x16400] =	vst v63  }
0xc1: {  	s29 =	simm.s32 $0x11C00  }
0xc2: {  	[tilespmem:s29], [sflag:$0x1] =	stream.indirect_vreg.gather [hbm4b:s2+s3], $0x80, v3, vm0, $0xb8;
	[tilespmem:$0x16400] =	vst v63  }
0xc3: {  	v3 =	vld [tilespmem:s26+$0xFFFFFFC0];
	_ =	sdelay $0x4  }
0xc4: {  	v52 =	vperm.xlane v3, v0;
	_ =	sdelay $0x1  }
0xc5: {  	v3 =	vperm.xlane v3, v2;
	v4 =	vadd.s32 v1, v52;
	_ =	sdelay $0x1  }
0xc6: {  	v3 =	vadd.s32 v1, v3;
	_ =	sdelay $0x1  }
0xc7: {  	s29 =	simm.s32 $0x12400  }
0xc8: {  	[tilespmem:s29], [sflag:$0x1] =	stream.indirect_vreg.gather [hbm4b:s2+s3], $0x80, v4, vm0, $0xb8;
	[tilespmem:$0x16400] =	vst v63  }
0xc9: {  	s29 =	simm.s32 $0x12C00  }
0xca: {  	[tilespmem:s29], [sflag:$0x1] =	stream.indirect_vreg.gather [hbm4b:s2+s3], $0x80, v3, vm0, $0xb8;
	[tilespmem:$0x16400] =	vst v63  }
0xcb: {  	v3 =	vld [tilespmem:s26+$0xFFFFFFD0];
	_ =	sdelay $0x4  }
0xcc: {  	v53 =	vperm.xlane v3, v0;
	_ =	sdelay $0x1  }
0xcd: {  	v3 =	vperm.xlane v3, v2;
	v4 =	vadd.s32 v1, v53;
	_ =	sdelay $0x1  }
0xce: {  	v3 =	vadd.s32 v1, v3;
	_ =	sdelay $0x1  }
0xcf: {  	s29 =	simm.s32 $0x13400  }
0xd0: {  	[tilespmem:s29], [sflag:$0x1] =	stream.indirect_vreg.gather [hbm4b:s2+s3], $0x80, v4, vm0, $0xb8;
	[tilespmem:$0x16400] =	vst v63  }
0xd1: {  	s29 =	simm.s32 $0x13C00  }
0xd2: {  	[tilespmem:s29], [sflag:$0x1] =	stream.indirect_vreg.gather [hbm4b:s2+s3], $0x80, v3, vm0, $0xb8;
	[tilespmem:$0x16400] =	vst v63  }
0xd3: {  	v3 =	vld [tilespmem:s26+$0xFFFFFFE0];
	_ =	sdelay $0x4  }
0xd4: {  	v54 =	vperm.xlane v3, v0;
	_ =	sdelay $0x1  }
0xd5: {  	v3 =	vperm.xlane v3, v2;
	v4 =	vadd.s32 v1, v54;
	_ =	sdelay $0x1  }
0xd6: {  	v3 =	vadd.s32 v1, v3;
	_ =	sdelay $0x1  }
0xd7: {  	s29 =	simm.s32 $0x14400  }
0xd8: {  	[tilespmem:s29], [sflag:$0x1] =	stream.indirect_vreg.gather [hbm4b:s2+s3], $0x80, v4, vm0, $0xb8;
	[tilespmem:$0x16400] =	vst v63  }
0xd9: {  	s29 =	simm.s32 $0x14C00  }
0xda: {  	[tilespmem:s29], [sflag:$0x1] =	stream.indirect_vreg.gather [hbm4b:s2+s3], $0x80, v3, vm0, $0xb8;
	[tilespmem:$0x16400] =	vst v63  }
0xdb: {  	v3 =	vld [tilespmem:s26+$0xFFFFFFF0];
	_ =	sdelay $0x4  }
0xdc: {  	v55 =	vperm.xlane v3, v0;
	_ =	sdelay $0x1  }
0xdd: {  	v3 =	vperm.xlane v3, v2;
	v4 =	vadd.s32 v1, v55;
	_ =	sdelay $0x1  }
0xde: {  	v3 =	vadd.s32 v1, v3;
	_ =	sdelay $0x2  }
0xdf: {  	[tilespmem:s31], [sflag:$0x1] =	stream.indirect_vreg.gather [hbm4b:s2+s3], $0x80, v4, vm0, $0xb8;
	[tilespmem:$0x16400] =	vst v63  }
0xe0: {  	_ = 	snop  }
0xe1: {  	[tilespmem:s1], [sflag:$0x1] =	stream.indirect_vreg.gather [hbm4b:s2+s3], $0x80, v3, vm0, $0xb8;
	[tilespmem:$0x16400] =	vst v63  }
0xe2: {  	v3 =	vld [tilespmem:s26+$0x0];
	_ =	sdelay $0x4  }
0xe3: {  	v56 =	vperm.xlane v3, v0;
	_ =	sdelay $0x1  }
0xe4: {  	v3 =	vperm.xlane v3, v2;
	v4 =	vadd.s32 v1, v56;
	_ =	sdelay $0x1  }
0xe5: {  	v3 =	vadd.s32 v1, v3;
	_ =	sdelay $0x2  }
0xe6: {  	[tilespmem:s0], [sflag:$0x1] =	stream.indirect_vreg.gather [hbm4b:s2+s3], $0x80, v4, vm0, $0xb8;
	[tilespmem:$0x16400] =	vst v63  }
0xe7: {  	_ = 	snop  }
0xe8: {  	[tilespmem:s7], [sflag:$0x1] =	stream.indirect_vreg.gather [hbm4b:s2+s3], $0x80, v3, vm0, $0xb8;
	[tilespmem:$0x16400] =	vst v63  }
0xe9: {  	v3 =	vld [tilespmem:s26+$0x10];
	_ =	sdelay $0x4  }
0xea: {  	v57 =	vperm.xlane v3, v0;
	_ =	sdelay $0x1  }
0xeb: {  	v3 =	vperm.xlane v3, v2;
	v4 =	vadd.s32 v1, v57;
	_ =	sdelay $0x1  }
0xec: {  	v3 =	vadd.s32 v1, v3;
	_ =	sdelay $0x2  }
0xed: {  	[tilespmem:s4], [sflag:$0x1] =	stream.indirect_vreg.gather [hbm4b:s2+s3], $0x80, v4, vm0, $0xb8;
	[tilespmem:$0x16400] =	vst v63  }
0xee: {  	_ = 	snop  }
0xef: {  	[tilespmem:s8], [sflag:$0x1] =	stream.indirect_vreg.gather [hbm4b:s2+s3], $0x80, v3, vm0, $0xb8;
	[tilespmem:$0x16400] =	vst v63  }
0xf0: {  	v3 =	vld [tilespmem:s26+$0x20];
	_ =	sdelay $0x4  }
0xf1: {  	v58 =	vperm.xlane v3, v0;
	_ =	sdelay $0x1  }
0xf2: {  	v3 =	vperm.xlane v3, v2;
	v4 =	vadd.s32 v1, v58;
	_ =	sdelay $0x1  }
0xf3: {  	v3 =	vadd.s32 v1, v3;
	_ =	sdelay $0x2  }
0xf4: {  	[tilespmem:s5], [sflag:$0x1] =	stream.indirect_vreg.gather [hbm4b:s2+s3], $0x80, v4, vm0, $0xb8;
	[tilespmem:$0x16400] =	vst v63  }
0xf5: {  	_ = 	snop  }
0xf6: {  	[tilespmem:s11], [sflag:$0x1] =	stream.indirect_vreg.gather [hbm4b:s2+s3], $0x80, v3, vm0, $0xb8;
	[tilespmem:$0x16400] =	vst v63  }
0xf7: {  	v3 =	vld [tilespmem:s26+$0x30];
	_ =	sdelay $0x4  }
0xf8: {  	v59 =	vperm.xlane v3, v0;
	_ =	sdelay $0x1  }
0xf9: {  	v3 =	vperm.xlane v3, v2;
	v4 =	vadd.s32 v1, v59;
	_ =	sdelay $0x1  }
0xfa: {  	v3 =	vadd.s32 v1, v3;
	_ =	sdelay $0x2  }
0xfb: {  	[tilespmem:s12], [sflag:$0x1] =	stream.indirect_vreg.gather [hbm4b:s2+s3], $0x80, v4, vm0, $0xb8;
	[tilespmem:$0x16400] =	vst v63  }
0xfc: {  	_ = 	snop  }
0xfd: {  	[tilespmem:s13], [sflag:$0x1] =	stream.indirect_vreg.gather [hbm4b:s2+s3], $0x80, v3, vm0, $0xb8;
	[tilespmem:$0x16400] =	vst v63  }
0xfe: {  	v3 =	vld [tilespmem:s26+$0x40];
	_ =	sdelay $0x4  }
0xff: {  	v60 =	vperm.xlane v3, v0;
	_ =	sdelay $0x1  }
0x100: {  	v3 =	vperm.xlane v3, v2;
	v4 =	vadd.s32 v1, v60;
	_ =	sdelay $0x1  }
0x101: {  	v3 =	vadd.s32 v1, v3;
	_ =	sdelay $0x2  }
0x102: {  	[tilespmem:s14], [sflag:$0x1] =	stream.indirect_vreg.gather [hbm4b:s2+s3], $0x80, v4, vm0, $0xb8;
	[tilespmem:$0x16400] =	vst v63  }
0x103: {  	_ = 	snop  }
0x104: {  	[tilespmem:s15], [sflag:$0x1] =	stream.indirect_vreg.gather [hbm4b:s2+s3], $0x80, v3, vm0, $0xb8;
	[tilespmem:$0x16400] =	vst v63  }
0x105: {  	v3 =	vld [tilespmem:s26+$0x50];
	_ =	sdelay $0x4  }
0x106: {  	v61 =	vperm.xlane v3, v0;
	_ =	sdelay $0x1  }
0x107: {  	v3 =	vperm.xlane v3, v2;
	v4 =	vadd.s32 v1, v61;
	_ =	sdelay $0x1  }
0x108: {  	v3 =	vadd.s32 v1, v3;
	_ =	sdelay $0x2  }
0x109: {  	[tilespmem:s17], [sflag:$0x1] =	stream.indirect_vreg.gather [hbm4b:s2+s3], $0x80, v4, vm0, $0xb8;
	[tilespmem:$0x16400] =	vst v63  }
0x10a: {  	_ = 	snop  }
0x10b: {  	[tilespmem:s18], [sflag:$0x1] =	stream.indirect_vreg.gather [hbm4b:s2+s3], $0x80, v3, vm0, $0xb8;
	[tilespmem:$0x16400] =	vst v63  }
0x10c: {  	v3 =	vld [tilespmem:s26+$0x60];
	_ =	sdelay $0x4  }
0x10d: {  	v62 =	vperm.xlane v3, v0;
	_ =	sdelay $0x1  }
0x10e: {  	v3 =	vperm.xlane v3, v2;
	v4 =	vadd.s32 v1, v62;
	_ =	sdelay $0x1  }
0x10f: {  	v3 =	vadd.s32 v1, v3;
	_ =	sdelay $0x2  }
0x110: {  	[tilespmem:s19], [sflag:$0x1] =	stream.indirect_vreg.gather [hbm4b:s2+s3], $0x80, v4, vm0, $0xb8;
	[tilespmem:$0x16400] =	vst v63  }
0x111: {  	_ = 	snop  }
0x112: {  	[tilespmem:s20], [sflag:$0x1] =	stream.indirect_vreg.gather [hbm4b:s2+s3], $0x80, v3, vm0, $0xb8;
	[tilespmem:$0x16400] =	vst v63  }
0x113: {  	v3 =	vld [tilespmem:s26+$0x70];
	_ =	sdelay $0x4  }
0x114: {  	v63 =	vperm.xlane v3, v0;
	_ =	sdelay $0x1  }
0x115: {  	v3 =	vperm.xlane v3, v2;
	v4 =	vadd.s32 v1, v63;
	_ =	sdelay $0x1  }
0x116: {  	v3 =	vadd.s32 v1, v3;
	_ =	sdelay $0x2  }
0x117: {  	[tilespmem:s21], [sflag:$0x1] =	stream.indirect_vreg.gather [hbm4b:s2+s3], $0x80, v4, vm0, $0xb8;
	[tilespmem:$0x16400] =	vst v63  }
0x118: {  	_ = 	snop  }
0x119: {  	[tilespmem:s22], [sflag:$0x1] =	stream.indirect_vreg.gather [hbm4b:s2+s3], $0x80, v3, vm0, $0xb8;
	[tilespmem:$0x16400] =	vst v63  }
0x11a: {  	_ =	swait.ge [sflag:s23], $0x8000  }
0x11b: {  	p0 =	seq.s32 s28, $0x6200;
	[sflag:s23] =	ssyncset.done $0x0  }
.Ltmp4:
0x11c: {  	s29 =	sadd.s32 s28, s6;
	[sflag:s23] =	ssyncadd.s32 $0xFFFF8000;
	(pc) =	sbr.rel @p0 .LBB2_4-.Ltmp4, $4  }
0x11d: {  	[hbm4b:s29+s24] =	stream.strided.scatter [tilespmem:s10], [sflag:$0x2], $0x8000, s25, s24, $0x38;
	[tilespmem:$0x16400] =	vst v63  }
0x11e: {  	_ =	swait.ge [sflag:s9], $0x8000  }
0x11f: {  	[sflag:s9] =	ssyncset.done $0x0  }
0x120: {  	[sflag:s9] =	ssyncadd.s32 $0xFFFF8000  }
0x121: {  	v3 =	vld [tilespmem:s26+$0x80];
	_ =	sdelay $0x4  }
0x122: {  	v4 =	vperm.xlane v3, v0;
	_ =	sdelay $0x1  }
0x123: {  	v3 =	vperm.xlane v3, v2;
	v4 =	vadd.s32 v1, v4;
	_ =	sdelay $0x1  }
0x124: {  	v3 =	vadd.s32 v1, v3;
	_ =	sdelay $0x2  }
0x125: {  	[tilespmem:s10], [sflag:$0x1] =	stream.indirect_vreg.gather [hbm4b:s2+s3], $0x80, v4, vm0, $0xb8;
	[tilespmem:$0x16400] =	vst v63  }
0x126: {  	s30 =	simm.s32 $0x6C00  }
0x127: {  	[tilespmem:s30], [sflag:$0x1] =	stream.indirect_vreg.gather [hbm4b:s2+s3], $0x80, v3, vm0, $0xb8;
	[tilespmem:$0x16400] =	vst v63  }
0x128: {  	v3 =	vld [tilespmem:s26+$0x90];
	_ =	sdelay $0x4  }
0x129: {  	v49 =	vperm.xlane v3, v0;
	_ =	sdelay $0x1  }
0x12a: {  	v3 =	vperm.xlane v3, v2;
	v4 =	vadd.s32 v1, v49;
	_ =	sdelay $0x1  }
0x12b: {  	v3 =	vadd.s32 v1, v3;
	_ =	sdelay $0x1  }
0x12c: {  	s30 =	simm.s32 $0x7400  }
0x12d: {  	[tilespmem:s30], [sflag:$0x1] =	stream.indirect_vreg.gather [hbm4b:s2+s3], $0x80, v4, vm0, $0xb8;
	[tilespmem:$0x16400] =	vst v63  }
0x12e: {  	s30 =	simm.s32 $0x7C00  }
0x12f: {  	[tilespmem:s30], [sflag:$0x1] =	stream.indirect_vreg.gather [hbm4b:s2+s3], $0x80, v3, vm0, $0xb8;
	[tilespmem:$0x16400] =	vst v63  }
0x130: {  	v3 =	vld [tilespmem:s26+$0xA0];
	_ =	sdelay $0x4  }
0x131: {  	v50 =	vperm.xlane v3, v0;
	_ =	sdelay $0x1  }
0x132: {  	v3 =	vperm.xlane v3, v2;
	v4 =	vadd.s32 v1, v50;
	_ =	sdelay $0x1  }
0x133: {  	v3 =	vadd.s32 v1, v3;
	_ =	sdelay $0x1  }
0x134: {  	s30 =	simm.s32 $0x8400  }
0x135: {  	[tilespmem:s30], [sflag:$0x1] =	stream.indirect_vreg.gather [hbm4b:s2+s3], $0x80, v4, vm0, $0xb8;
	[tilespmem:$0x16400] =	vst v63  }
0x136: {  	s30 =	simm.s32 $0x8C00  }
0x137: {  	[tilespmem:s30], [sflag:$0x1] =	stream.indirect_vreg.gather [hbm4b:s2+s3], $0x80, v3, vm0, $0xb8;
	[tilespmem:$0x16400] =	vst v63  }
0x138: {  	v3 =	vld [tilespmem:s26+$0xB0];
	_ =	sdelay $0x4  }
0x139: {  	v51 =	vperm.xlane v3, v0;
	_ =	sdelay $0x1  }
0x13a: {  	v3 =	vperm.xlane v3, v2;
	v4 =	vadd.s32 v1, v51;
	_ =	sdelay $0x1  }
0x13b: {  	v3 =	vadd.s32 v1, v3;
	_ =	sdelay $0x1  }
0x13c: {  	s30 =	simm.s32 $0x9400  }
0x13d: {  	[tilespmem:s30], [sflag:$0x1] =	stream.indirect_vreg.gather [hbm4b:s2+s3], $0x80, v4, vm0, $0xb8;
	[tilespmem:$0x16400] =	vst v63  }
0x13e: {  	s30 =	simm.s32 $0x9C00  }
0x13f: {  	[tilespmem:s30], [sflag:$0x1] =	stream.indirect_vreg.gather [hbm4b:s2+s3], $0x80, v3, vm0, $0xb8;
	[tilespmem:$0x16400] =	vst v63  }
0x140: {  	v3 =	vld [tilespmem:s26+$0xC0];
	_ =	sdelay $0x4  }
0x141: {  	v52 =	vperm.xlane v3, v0;
	_ =	sdelay $0x1  }
0x142: {  	v3 =	vperm.xlane v3, v2;
	v4 =	vadd.s32 v1, v52;
	_ =	sdelay $0x1  }
0x143: {  	v3 =	vadd.s32 v1, v3;
	_ =	sdelay $0x1  }
0x144: {  	s30 =	simm.s32 $0xA400  }
0x145: {  	[tilespmem:s30], [sflag:$0x1] =	stream.indirect_vreg.gather [hbm4b:s2+s3], $0x80, v4, vm0, $0xb8;
	[tilespmem:$0x16400] =	vst v63  }
0x146: {  	s30 =	simm.s32 $0xAC00  }
0x147: {  	[tilespmem:s30], [sflag:$0x1] =	stream.indirect_vreg.gather [hbm4b:s2+s3], $0x80, v3, vm0, $0xb8;
	[tilespmem:$0x16400] =	vst v63  }
0x148: {  	v3 =	vld [tilespmem:s26+$0xD0];
	_ =	sdelay $0x4  }
0x149: {  	v53 =	vperm.xlane v3, v0;
	_ =	sdelay $0x1  }
0x14a: {  	v3 =	vperm.xlane v3, v2;
	v4 =	vadd.s32 v1, v53;
	_ =	sdelay $0x1  }
0x14b: {  	v3 =	vadd.s32 v1, v3;
	_ =	sdelay $0x1  }
0x14c: {  	s30 =	simm.s32 $0xB400  }
0x14d: {  	[tilespmem:s30], [sflag:$0x1] =	stream.indirect_vreg.gather [hbm4b:s2+s3], $0x80, v4, vm0, $0xb8;
	[tilespmem:$0x16400] =	vst v63  }
0x14e: {  	s30 =	simm.s32 $0xBC00  }
0x14f: {  	[tilespmem:s30], [sflag:$0x1] =	stream.indirect_vreg.gather [hbm4b:s2+s3], $0x80, v3, vm0, $0xb8;
	[tilespmem:$0x16400] =	vst v63  }
0x150: {  	v3 =	vld [tilespmem:s26+$0xE0];
	_ =	sdelay $0x4  }
0x151: {  	v54 =	vperm.xlane v3, v0;
	_ =	sdelay $0x1  }
0x152: {  	v3 =	vperm.xlane v3, v2;
	v4 =	vadd.s32 v1, v54;
	_ =	sdelay $0x1  }
0x153: {  	v3 =	vadd.s32 v1, v3;
	_ =	sdelay $0x1  }
0x154: {  	s30 =	simm.s32 $0xC400  }
0x155: {  	[tilespmem:s30], [sflag:$0x1] =	stream.indirect_vreg.gather [hbm4b:s2+s3], $0x80, v4, vm0, $0xb8;
	[tilespmem:$0x16400] =	vst v63  }
0x156: {  	s30 =	simm.s32 $0xCC00  }
0x157: {  	[tilespmem:s30], [sflag:$0x1] =	stream.indirect_vreg.gather [hbm4b:s2+s3], $0x80, v3, vm0, $0xb8;
	[tilespmem:$0x16400] =	vst v63  }
0x158: {  	v3 =	vld [tilespmem:s26+$0xF0];
	_ =	sdelay $0x4  }
0x159: {  	v55 =	vperm.xlane v3, v0;
	_ =	sdelay $0x1  }
0x15a: {  	v3 =	vperm.xlane v3, v2;
	v4 =	vadd.s32 v1, v55;
	_ =	sdelay $0x1  }
0x15b: {  	v3 =	vadd.s32 v1, v3;
	_ =	sdelay $0x1  }
0x15c: {  	s30 =	simm.s32 $0xD400  }
0x15d: {  	[tilespmem:s30], [sflag:$0x1] =	stream.indirect_vreg.gather [hbm4b:s2+s3], $0x80, v4, vm0, $0xb8;
	[tilespmem:$0x16400] =	vst v63  }
0x15e: {  	s30 =	simm.s32 $0xDC00  }
0x15f: {  	[tilespmem:s30], [sflag:$0x1] =	stream.indirect_vreg.gather [hbm4b:s2+s3], $0x80, v3, vm0, $0xb8;
	[tilespmem:$0x16400] =	vst v63  }
0x160: {  	v3 =	vld [tilespmem:s26+$0x100];
	_ =	sdelay $0x4  }
0x161: {  	v56 =	vperm.xlane v3, v0;
	_ =	sdelay $0x1  }
0x162: {  	v3 =	vperm.xlane v3, v2;
	v4 =	vadd.s32 v1, v56;
	_ =	sdelay $0x1  }
0x163: {  	v3 =	vadd.s32 v1, v3;
	_ =	sdelay $0x1  }
0x164: {  	s30 =	simm.s32 $0x6800  }
0x165: {  	[tilespmem:s30], [sflag:$0x1] =	stream.indirect_vreg.gather [hbm4b:s2+s3], $0x80, v4, vm0, $0xb8;
	[tilespmem:$0x16400] =	vst v63  }
0x166: {  	s30 =	simm.s32 $0x7000  }
0x167: {  	[tilespmem:s30], [sflag:$0x1] =	stream.indirect_vreg.gather [hbm4b:s2+s3], $0x80, v3, vm0, $0xb8;
	[tilespmem:$0x16400] =	vst v63  }
0x168: {  	v3 =	vld [tilespmem:s26+$0x110];
	_ =	sdelay $0x4  }
0x169: {  	v57 =	vperm.xlane v3, v0;
	_ =	sdelay $0x1  }
0x16a: {  	v3 =	vperm.xlane v3, v2;
	v4 =	vadd.s32 v1, v57;
	_ =	sdelay $0x1  }
0x16b: {  	v3 =	vadd.s32 v1, v3;
	_ =	sdelay $0x1  }
0x16c: {  	s30 =	simm.s32 $0x7800  }
0x16d: {  	[tilespmem:s30], [sflag:$0x1] =	stream.indirect_vreg.gather [hbm4b:s2+s3], $0x80, v4, vm0, $0xb8;
	[tilespmem:$0x16400] =	vst v63  }
0x16e: {  	s30 =	simm.s32 $0x8000  }
0x16f: {  	[tilespmem:s30], [sflag:$0x1] =	stream.indirect_vreg.gather [hbm4b:s2+s3], $0x80, v3, vm0, $0xb8;
	[tilespmem:$0x16400] =	vst v63  }
0x170: {  	v3 =	vld [tilespmem:s26+$0x120];
	_ =	sdelay $0x4  }
0x171: {  	v58 =	vperm.xlane v3, v0;
	_ =	sdelay $0x1  }
0x172: {  	v3 =	vperm.xlane v3, v2;
	v4 =	vadd.s32 v1, v58;
	_ =	sdelay $0x1  }
0x173: {  	v3 =	vadd.s32 v1, v3;
	_ =	sdelay $0x1  }
0x174: {  	s30 =	simm.s32 $0x8800  }
0x175: {  	[tilespmem:s30], [sflag:$0x1] =	stream.indirect_vreg.gather [hbm4b:s2+s3], $0x80, v4, vm0, $0xb8;
	[tilespmem:$0x16400] =	vst v63  }
0x176: {  	s30 =	simm.s32 $0x9000  }
0x177: {  	[tilespmem:s30], [sflag:$0x1] =	stream.indirect_vreg.gather [hbm4b:s2+s3], $0x80, v3, vm0, $0xb8;
	[tilespmem:$0x16400] =	vst v63  }
0x178: {  	v3 =	vld [tilespmem:s26+$0x130];
	_ =	sdelay $0x4  }
0x179: {  	v59 =	vperm.xlane v3, v0;
	_ =	sdelay $0x1  }
0x17a: {  	v3 =	vperm.xlane v3, v2;
	v4 =	vadd.s32 v1, v59;
	_ =	sdelay $0x1  }
0x17b: {  	v3 =	vadd.s32 v1, v3;
	_ =	sdelay $0x1  }
0x17c: {  	s30 =	simm.s32 $0x9800  }
0x17d: {  	[tilespmem:s30], [sflag:$0x1] =	stream.indirect_vreg.gather [hbm4b:s2+s3], $0x80, v4, vm0, $0xb8;
	[tilespmem:$0x16400] =	vst v63  }
0x17e: {  	s30 =	simm.s32 $0xA000  }
0x17f: {  	[tilespmem:s30], [sflag:$0x1] =	stream.indirect_vreg.gather [hbm4b:s2+s3], $0x80, v3, vm0, $0xb8;
	[tilespmem:$0x16400] =	vst v63  }
0x180: {  	v3 =	vld [tilespmem:s26+$0x140];
	_ =	sdelay $0x4  }
0x181: {  	v60 =	vperm.xlane v3, v0;
	_ =	sdelay $0x1  }
0x182: {  	v3 =	vperm.xlane v3, v2;
	v4 =	vadd.s32 v1, v60;
	_ =	sdelay $0x1  }
0x183: {  	v3 =	vadd.s32 v1, v3;
	_ =	sdelay $0x1  }
0x184: {  	s30 =	simm.s32 $0xA800  }
0x185: {  	[tilespmem:s30], [sflag:$0x1] =	stream.indirect_vreg.gather [hbm4b:s2+s3], $0x80, v4, vm0, $0xb8;
	[tilespmem:$0x16400] =	vst v63  }
0x186: {  	s30 =	simm.s32 $0xB000  }
0x187: {  	[tilespmem:s30], [sflag:$0x1] =	stream.indirect_vreg.gather [hbm4b:s2+s3], $0x80, v3, vm0, $0xb8;
	[tilespmem:$0x16400] =	vst v63  }
0x188: {  	v3 =	vld [tilespmem:s26+$0x150];
	_ =	sdelay $0x4  }
0x189: {  	v61 =	vperm.xlane v3, v0;
	_ =	sdelay $0x1  }
0x18a: {  	v3 =	vperm.xlane v3, v2;
	v4 =	vadd.s32 v1, v61;
	_ =	sdelay $0x1  }
0x18b: {  	v3 =	vadd.s32 v1, v3;
	_ =	sdelay $0x1  }
0x18c: {  	s30 =	simm.s32 $0xB800  }
0x18d: {  	[tilespmem:s30], [sflag:$0x1] =	stream.indirect_vreg.gather [hbm4b:s2+s3], $0x80, v4, vm0, $0xb8;
	[tilespmem:$0x16400] =	vst v63  }
0x18e: {  	s30 =	simm.s32 $0xC000  }
0x18f: {  	[tilespmem:s30], [sflag:$0x1] =	stream.indirect_vreg.gather [hbm4b:s2+s3], $0x80, v3, vm0, $0xb8;
	[tilespmem:$0x16400] =	vst v63  }
0x190: {  	v3 =	vld [tilespmem:s26+$0x160];
	_ =	sdelay $0x4  }
0x191: {  	v62 =	vperm.xlane v3, v0;
	_ =	sdelay $0x1  }
0x192: {  	v3 =	vperm.xlane v3, v2;
	v4 =	vadd.s32 v1, v62;
	_ =	sdelay $0x1  }
0x193: {  	v3 =	vadd.s32 v1, v3;
	_ =	sdelay $0x1  }
0x194: {  	s30 =	simm.s32 $0xC800  }
0x195: {  	[tilespmem:s30], [sflag:$0x1] =	stream.indirect_vreg.gather [hbm4b:s2+s3], $0x80, v4, vm0, $0xb8;
	[tilespmem:$0x16400] =	vst v63  }
0x196: {  	s30 =	simm.s32 $0xD000  }
0x197: {  	[tilespmem:s30], [sflag:$0x1] =	stream.indirect_vreg.gather [hbm4b:s2+s3], $0x80, v3, vm0, $0xb8;
	[tilespmem:$0x16400] =	vst v63  }
0x198: {  	v3 =	vld [tilespmem:s26+$0x170];
	_ =	sdelay $0x4  }
0x199: {  	v63 =	vperm.xlane v3, v0;
	_ =	sdelay $0x1  }
0x19a: {  	v3 =	vperm.xlane v3, v2;
	v4 =	vadd.s32 v1, v63;
	_ =	sdelay $0x1  }
0x19b: {  	v3 =	vadd.s32 v1, v3;
	_ =	sdelay $0x1  }
.Ltmp5:
0x19c: {  	s30 =	simm.s32 $0xD800;
	(pc) =	sbr.rel .LBB2_4-.Ltmp5, $4  }
0x19d: {  	[tilespmem:s30], [sflag:$0x1] =	stream.indirect_vreg.gather [hbm4b:s2+s3], $0x80, v4, vm0, $0xb8;
	[tilespmem:$0x16400] =	vst v63  }
0x19e: {  	s30 =	simm.s32 $0xE000  }
0x19f: {  	[tilespmem:s30], [sflag:$0x1] =	stream.indirect_vreg.gather [hbm4b:s2+s3], $0x80, v3, vm0, $0xb8;
	[tilespmem:$0x16400] =	vst v63  }
0x1a0: {  	s30 =	simm.s32 $0xEC00  }
.LBB2_6:
0x1a1: {  	_ =	sfence.sel $0x180000  }
0x1a2: {  	[bflag:$0x0] =	sbarrier.arrive $0xFFFF  }
0x1a3: {  	_ =	strace $0x90000047  }
0x1a4: {  	s0 =	stileid.u32;
	[bflag:$0x2] =	sbarrier.arrive $0xFFFF  }
0x1a5: {  	p0 =	sne.s32 s0, $0x0;
	s0 =	rddreg [dreg:$0x2]  }
0x1a6: {  	s0 =	sadd.s32 @!p0 $0x100000, s0  }
0x1a7: {  	[sflag:s0] =	ssyncadd.tile.s32 @!p0 $0x1;
	_ =	shalt  }
.Lfunc_end2:
_tile_overlayer_lowered:
.L_overlay_start_2:
0x1a8: {  	(tag) =	ssettag $0x2  }
0x1a9: {  	s0 =	rddreg [dreg:$0x0];
	s2 =	stileid.u32  }
0x1aa: {  	s1 =	rddreg [dreg:$0x1];
	p0 =	sne.s32 s2, $0x0  }
0x1ab: {  	s3 =	rddreg [dreg:$0x2];
	[bflag:$0x3] =	sbarrier.arrive $0xFFFF;
	s2 =	simm.s32 @!p0 $0x1C02  }
0x1ac: {  	[timem:s3], [sflag:s2] =	dma.local @!p0 [hbm:s0], s1  }
0x1ad: {  	s0 =	simm.s32 @!p0 $0x2  }
0x1ae: {  	_ =	swait.ge @!p0 [sflag:s0], s1  }
0x1af: {  	s1 =	ssub.s32 @!p0 $0x0, s1;
	[sflag:s0] =	ssyncset.done @!p0 $0x0  }
0x1b0: {  	[sflag:s0] =	ssyncadd.s32 @!p0 s1  }
0x1b1: {  	[bflag:$0x3] =	sbarrier.arrive $0xFFFF  }
0x1b2: {  	_ =	shalt  }

</sc_bundles>
